<compile_context>
chip_gen: v7x
topology: tpu7x:2x2x1
jax: 0.10.2.dev20260603
libtpu: 0.0.44.dev20260713+nightly
codegen_flags: <defaults>
</compile_context>

<pallas_src>
import jax
import jax.numpy as jnp
from jax import lax
from jax.experimental import pallas as pl
from jax.experimental.pallas import tpu as pltpu
from jax.experimental.pallas import tpu_sc as plsc

_RATE = 0.04
_NROWS = 32
_D = 512
_GROUP = 8
_NSUB = 16
_LANES = 16
_CBLK = 128
_NCB = _D // _CBLK
_C1 = _RATE * float(_GROUP) / float(_GROUP - 1)
_C2 = _RATE / float(_GROUP - 1)


def _regularizer_body(in_hbm, out_hbm, block_v, src_v, gather_v, shared_v,
                      sem):
    s = lax.axis_index("s")
    zero = jnp.zeros((_LANES,), jnp.float32)

    g = s // _NCB
    b = s - g * _NCB
    r0 = pl.multiple_of(g * _GROUP, _GROUP)
    c0 = pl.multiple_of(b * _CBLK, _CBLK)
    cp = pltpu.async_copy(in_hbm.at[pl.ds(r0, _GROUP), pl.ds(c0, _CBLK)],
                          block_v, sem)

    @pl.when(s == _NSUB - 1)
    def _init_accumulator():
        src_v[...] = zero
        pltpu.sync_copy(src_v, shared_v)

    cp.wait()
    sq_parts = []
    gsq_parts = []
    for k in range(_CBLK // _LANES):
        sq_k = zero
        ssum = zero
        for i in range(_GROUP):
            v = block_v[i, pl.ds(k * _LANES, _LANES)]
            sq_k = sq_k + v * v
            ssum = ssum + v
        sq_parts.append(sq_k)
        gsq_parts.append(ssum * ssum)
    while len(sq_parts) > 1:
        sq_parts = [a + b for a, b in zip(sq_parts[::2], sq_parts[1::2])]
    while len(gsq_parts) > 1:
        gsq_parts = [a + b for a, b in zip(gsq_parts[::2], gsq_parts[1::2])]
    part = _C1 * sq_parts[0] - _C2 * gsq_parts[0]
    total = part[0]
    for i in range(1, _LANES):
        total = total + part[i]
    src_v[...] = jnp.full((_LANES,), total, jnp.float32)

    plsc.subcore_barrier()

    pltpu.sync_copy(src_v, shared_v.at[lax.iota(jnp.int32, _LANES)],
                    add=True)

    plsc.subcore_barrier()

    @pl.when(s == 0)
    def _write_out():
        pltpu.sync_copy(shared_v, gather_v)
        pltpu.sync_copy(gather_v, out_hbm)


@jax.jit
def _regularizer(inputs):
    kern = pl.kernel(
        _regularizer_body,
        out_type=jax.ShapeDtypeStruct((_LANES,), jnp.float32),
        mesh=plsc.VectorSubcoreMesh(core_axis_name="c", subcore_axis_name="s",
                                    num_cores=1),
        scratch_types=[
            pltpu.VMEM((_GROUP, _CBLK), jnp.float32),
            pltpu.VMEM((_LANES,), jnp.float32),
            pltpu.VMEM((_LANES,), jnp.float32),
            pltpu.VMEM_SHARED((_LANES,), jnp.float32),
            pltpu.SemaphoreType.DMA,
        ],
    )
    return kern(inputs)[0]


def kernel(inputs):
    return _regularizer(inputs)

# --- scband reference (transcript-rebuilt; emitter-appended) ---
"""Pipeline reference for scband-custom-embedding-regularizer-79121887527439 (READ-ONLY COPY).

The authoritative reference and input builder live on the scoring server;
editing this copy changes nothing except your own understanding.
"""

import jax, jax.numpy as jnp
import numpy as np

RATE = 0.04
# tfidf_matrix from init_kwargs: 32 rows, 4 groups of 8 identical one-hot rows.
TFIDF = np.repeat(np.eye(4, dtype=np.float64), 8, axis=0)  # [32, 4]
N = TFIDF.shape[0]

# Reproduce calculate_map(): for each i, neighbors j != i with |dot(tfidf_i, tfidf_j)| >= 0.8.
_src, _dst = [], []
_deg = np.zeros(N, dtype=np.float32)
for i in range(N):
    for j in range(N):
        if i != j and abs(np.dot(TFIDF[i], TFIDF[j])) >= 0.8:
            _src.append(i)
            _dst.append(j)
            _deg[i] += 1.0
SRC = jnp.asarray(np.array(_src, dtype=np.int32))
DST = jnp.asarray(np.array(_dst, dtype=np.int32))
DEG = jnp.asarray(_deg)


def setup_inputs(seed: int = 0) -> dict:
    key = jax.random.key(seed)
    inputs = jax.random.normal(key, (N, 512), dtype=jnp.float32)
    return {"inputs": inputs}


def reference(inputs):
    # similar_embeddings: sum(x^2) - sum_i ( sum_{j in map[i]} x_i . x_j ) / len(map[i])
    sq = jnp.sum(jnp.square(inputs))
    # gather both endpoints of every similarity edge, dot product, normalize by src degree
    dots = jnp.sum(inputs[SRC] * inputs[DST], axis=-1)  # [E]
    pair = jnp.sum(dots / DEG[SRC])
    return RATE * (sq - pair)

if __name__ == "__main__":
    import jax
    _d = setup_inputs()
    print(jax.jit(kernel)(*tuple(_d.values())))

</pallas_src>

<mosaic_0001>
#map = affine_map<(d0, d1) -> (0, 0)>
#map1 = affine_map<(d0, d1) -> (0)>
module attributes {stable_mosaic.version = 14 : i64} {
  func.func @_regularizer_body(%arg0: i32, %arg1: i32, %arg2: memref<32x512xf32, #tpu.memory_space<hbm>>, %arg3: memref<16xf32, #tpu.memory_space<hbm>>, %arg4: memref<8x128xf32, #tpu.memory_space<vmem>>, %arg5: memref<16xf32, #tpu.memory_space<vmem>>, %arg6: memref<16xf32, #tpu.memory_space<vmem>>, %arg7: memref<16xf32, #tpu.memory_space<vmem_shared>>, %arg8: memref<!tpu.dma_semaphore, #tpu.memory_space<semaphore_mem>>) attributes {dimension_semantics = [#tpu.dimension_semantics<core_parallel>, #tpu.dimension_semantics<subcore_parallel>], iteration_bounds = array<i64: 1, 16>, scalar_prefetch = 0 : i64, scratch_operands = 5 : i64, tpu.core_type = #tpu.core_type<sc_vector_subcore>, window_params = [{transform_indices = #map}, {transform_indices = #map1}]} {
    %broadcast_in_dim3A = arith.constant 0.000000e+00 : f32
    %broadcast_in_dim3A_0 = vector.broadcast %broadcast_in_dim3A : f32 to vector<16xf32>
    %jit3A = arith.constant 4 : i32
    %div3A = arith.divsi %arg1, %jit3A : i32
    %sign3A = arith.constant 0 : i32
    %sign3A_1 = arith.cmpi sgt, %arg1, %sign3A : i32
    %sign3A_2 = arith.extui %sign3A_1 : i1 to i32
    %sign3A_3 = arith.constant 0 : i32
    %sign3A_4 = arith.cmpi slt, %arg1, %sign3A_3 : i32
    %sign3A_5 = arith.extui %sign3A_4 : i1 to i32
    %sign3A_6 = arith.subi %sign3A_2, %sign3A_5 : i32
    %sign3A_7 = arith.constant 0 : i32
    %sign3A_8 = arith.cmpi sgt, %jit3A, %sign3A_7 : i32
    %sign3A_9 = arith.extui %sign3A_8 : i1 to i32
    %sign3A_10 = arith.constant 0 : i32
    %sign3A_11 = arith.cmpi slt, %jit3A, %sign3A_10 : i32
    %sign3A_12 = arith.extui %sign3A_11 : i1 to i32
    %sign3A_13 = arith.subi %sign3A_9, %sign3A_12 : i32
    %ne3A = arith.cmpi ne, %sign3A_6, %sign3A_13 : i32
    %rem3A = arith.remsi %arg1, %jit3A : i32
    %ne3A_14 = arith.constant 0 : i32
    %ne3A_15 = arith.cmpi ne, %rem3A, %ne3A_14 : i32
    %and3A = arith.andi %ne3A, %ne3A_15 : i1
    %sub3A = arith.constant 1 : i32
    %sub3A_16 = arith.subi %div3A, %sub3A : i32
    %select_n3A = arith.select %and3A, %sub3A_16, %div3A : i32
    %mul3A = arith.constant 4 : i32
    %mul3A_17 = arith.muli %select_n3A, %mul3A : i32
    %sub3A_18 = arith.subi %arg1, %mul3A_17 : i32
    %mul3A_19 = arith.constant 8 : i32
    %mul3A_20 = arith.muli %select_n3A, %mul3A_19 : i32
    %multiple_of3A = tpu.assume_multiple %mul3A_20, 8 : i32
    %mul3A_21 = arith.constant 128 : i32
    %mul3A_22 = arith.muli %sub3A_18, %mul3A_21 : i32
    %multiple_of3A_23 = tpu.assume_multiple %mul3A_22, 128 : i32
    %dma_start3A = tpu.memref_slice %arg2[%multiple_of3A, %multiple_of3A_23] : memref<32x512xf32, #tpu.memory_space<hbm>> -> memref<8x128xf32, #tpu.memory_space<hbm>>
    %dma_start3A_24 = tpu.memref_slice %arg2[%multiple_of3A, %multiple_of3A_23] : memref<32x512xf32, #tpu.memory_space<hbm>> -> memref<8x128xf32, #tpu.memory_space<hbm>>
    tpu.enqueue_dma source(%dma_start3A_24 : memref<8x128xf32, #tpu.memory_space<hbm>>) target(%arg4 : memref<8x128xf32, #tpu.memory_space<vmem>>) target_semaphore(%arg8 : memref<!tpu.dma_semaphore, #tpu.memory_space<semaphore_mem>>)
    %eq3A = arith.constant 15 : i32
    %eq3A_25 = arith.cmpi eq, %arg1, %eq3A : i32
    %convert_element_type3A = arith.extui %eq3A_25 : i1 to i32
    %cond3A = arith.constant 0 : i32
    %cond3A_26 = arith.cmpi ne, %convert_element_type3A, %cond3A : i32
    scf.if %cond3A_26 {
      %swap3A_622 = arith.constant 0 : index
      %swap3A_623 = tpu.vector_load %arg5[%swap3A_622] {strides = array<i32>} : memref<16xf32, #tpu.memory_space<vmem>>, vector<16xf32>,
      %swap3A_624 = vector.shape_cast %swap3A_623 : vector<16xf32> to vector<16xf32>
      %swap3A_625 = vector.shape_cast %broadcast_in_dim3A_0 : vector<16xf32> to vector<16xf32>
      tpu.vector_store %arg5[%swap3A_622], %swap3A_625 {strides = array<i32>} : memref<16xf32, #tpu.memory_space<vmem>>, vector<16xf32>,
      "tpu.region"() ({
        %run_scoped3A = tpu.sem_alloc : memref<!tpu.dma_semaphore, #tpu.memory_space<semaphore_mem>>
        tpu.enqueue_dma source(%arg5 : memref<16xf32, #tpu.memory_space<vmem>>) target(%arg7 : memref<16xf32, #tpu.memory_space<vmem_shared>>) target_semaphore(%run_scoped3A : memref<!tpu.dma_semaphore, #tpu.memory_space<semaphore_mem>>)
        tpu.wait_dma2 semaphore(%run_scoped3A : memref<!tpu.dma_semaphore, #tpu.memory_space<semaphore_mem>>) src(%arg5 : memref<16xf32, #tpu.memory_space<vmem>>) dst(%arg7 : memref<16xf32, #tpu.memory_space<vmem_shared>>)
        tpu.yield
      }) : () -> ()
    } else {
    }
    %dma_wait3A = tpu.memref_slice %arg2[%multiple_of3A, %multiple_of3A_23] : memref<32x512xf32, #tpu.memory_space<hbm>> -> memref<8x128xf32, #tpu.memory_space<hbm>>
    %dma_wait3A_27 = tpu.memref_slice %arg2[%multiple_of3A, %multiple_of3A_23] : memref<32x512xf32, #tpu.memory_space<hbm>> -> memref<8x128xf32, #tpu.memory_space<hbm>>
    tpu.wait_dma2 semaphore(%arg8 : memref<!tpu.dma_semaphore, #tpu.memory_space<semaphore_mem>>) src(%dma_wait3A_27 : memref<8x128xf32, #tpu.memory_space<hbm>>) dst(%arg4 : memref<8x128xf32, #tpu.memory_space<vmem>>)
    %get3A = arith.constant 0 : i32
    %get3A_28 = arith.index_cast %get3A : i32 to index
    %get3A_29 = arith.constant 0 : index
    %get3A_30 = tpu.vector_load %arg4[%get3A_28, %get3A_29] {strides = array<i32>} : memref<8x128xf32, #tpu.memory_space<vmem>>, vector<1x16xf32>,
    %get3A_31 = vector.shape_cast %get3A_30 : vector<1x16xf32> to vector<16xf32>
    %mul3A_32 = arith.mulf %get3A_31, %get3A_31 : vector<16xf32>
    %add3A = arith.addf %broadcast_in_dim3A_0, %mul3A_32 : vector<16xf32>
    %add3A_33 = arith.addf %broadcast_in_dim3A_0, %get3A_31 : vector<16xf32>
    %get3A_34 = arith.constant 1 : i32
    %get3A_35 = arith.index_cast %get3A_34 : i32 to index
    %get3A_36 = arith.constant 0 : index
    %get3A_37 = tpu.vector_load %arg4[%get3A_35, %get3A_36] {strides = array<i32>} : memref<8x128xf32, #tpu.memory_space<vmem>>, vector<1x16xf32>,
    %get3A_38 = vector.shape_cast %get3A_37 : vector<1x16xf32> to vector<16xf32>
    %mul3A_39 = arith.mulf %get3A_38, %get3A_38 : vector<16xf32>
    %add3A_40 = arith.addf %add3A, %mul3A_39 : vector<16xf32>
    %add3A_41 = arith.addf %add3A_33, %get3A_38 : vector<16xf32>
    %get3A_42 = arith.constant 2 : i32
    %get3A_43 = arith.index_cast %get3A_42 : i32 to index
    %get3A_44 = arith.constant 0 : index
    %get3A_45 = tpu.vector_load %arg4[%get3A_43, %get3A_44] {strides = array<i32>} : memref<8x128xf32, #tpu.memory_space<vmem>>, vector<1x16xf32>,
    %get3A_46 = vector.shape_cast %get3A_45 : vector<1x16xf32> to vector<16xf32>
    %mul3A_47 = arith.mulf %get3A_46, %get3A_46 : vector<16xf32>
    %add3A_48 = arith.addf %add3A_40, %mul3A_47 : vector<16xf32>
    %add3A_49 = arith.addf %add3A_41, %get3A_46 : vector<16xf32>
    %get3A_50 = arith.constant 3 : i32
    %get3A_51 = arith.index_cast %get3A_50 : i32 to index
    %get3A_52 = arith.constant 0 : index
    %get3A_53 = tpu.vector_load %arg4[%get3A_51, %get3A_52] {strides = array<i32>} : memref<8x128xf32, #tpu.memory_space<vmem>>, vector<1x16xf32>,
    %get3A_54 = vector.shape_cast %get3A_53 : vector<1x16xf32> to vector<16xf32>
    %mul3A_55 = arith.mulf %get3A_54, %get3A_54 : vector<16xf32>
    %add3A_56 = arith.addf %add3A_48, %mul3A_55 : vector<16xf32>
    %add3A_57 = arith.addf %add3A_49, %get3A_54 : vector<16xf32>
    %get3A_58 = arith.constant 4 : i32
    %get3A_59 = arith.index_cast %get3A_58 : i32 to index
    %get3A_60 = arith.constant 0 : index
    %get3A_61 = tpu.vector_load %arg4[%get3A_59, %get3A_60] {strides = array<i32>} : memref<8x128xf32, #tpu.memory_space<vmem>>, vector<1x16xf32>,
    %get3A_62 = vector.shape_cast %get3A_61 : vector<1x16xf32> to vector<16xf32>
    %mul3A_63 = arith.mulf %get3A_62, %get3A_62 : vector<16xf32>
    %add3A_64 = arith.addf %add3A_56, %mul3A_63 : vector<16xf32>
    %add3A_65 = arith.addf %add3A_57, %get3A_62 : vector<16xf32>
    %get3A_66 = arith.constant 5 : i32
    %get3A_67 = arith.index_cast %get3A_66 : i32 to index
    %get3A_68 = arith.constant 0 : index
    %get3A_69 = tpu.vector_load %arg4[%get3A_67, %get3A_68] {strides = array<i32>} : memref<8x128xf32, #tpu.memory_space<vmem>>, vector<1x16xf32>,
    %get3A_70 = vector.shape_cast %get3A_69 : vector<1x16xf32> to vector<16xf32>
    %mul3A_71 = arith.mulf %get3A_70, %get3A_70 : vector<16xf32>
    %add3A_72 = arith.addf %add3A_64, %mul3A_71 : vector<16xf32>
    %add3A_73 = arith.addf %add3A_65, %get3A_70 : vector<16xf32>
    %get3A_74 = arith.constant 6 : i32
    %get3A_75 = arith.index_cast %get3A_74 : i32 to index
    %get3A_76 = arith.constant 0 : index
    %get3A_77 = tpu.vector_load %arg4[%get3A_75, %get3A_76] {strides = array<i32>} : memref<8x128xf32, #tpu.memory_space<vmem>>, vector<1x16xf32>,
    %get3A_78 = vector.shape_cast %get3A_77 : vector<1x16xf32> to vector<16xf32>
    %mul3A_79 = arith.mulf %get3A_78, %get3A_78 : vector<16xf32>
    %add3A_80 = arith.addf %add3A_72, %mul3A_79 : vector<16xf32>
    %add3A_81 = arith.addf %add3A_73, %get3A_78 : vector<16xf32>
    %get3A_82 = arith.constant 7 : i32
    %get3A_83 = arith.index_cast %get3A_82 : i32 to index
    %get3A_84 = arith.constant 0 : index
    %get3A_85 = tpu.vector_load %arg4[%get3A_83, %get3A_84] {strides = array<i32>} : memref<8x128xf32, #tpu.memory_space<vmem>>, vector<1x16xf32>,
    %get3A_86 = vector.shape_cast %get3A_85 : vector<1x16xf32> to vector<16xf32>
    %mul3A_87 = arith.mulf %get3A_86, %get3A_86 : vector<16xf32>
    %add3A_88 = arith.addf %add3A_80, %mul3A_87 : vector<16xf32>
    %add3A_89 = arith.addf %add3A_81, %get3A_86 : vector<16xf32>
    %mul3A_90 = arith.mulf %add3A_89, %add3A_89 : vector<16xf32>
    %get3A_91 = arith.constant 0 : i32
    %get3A_92 = arith.index_cast %get3A_91 : i32 to index
    %get3A_93 = arith.constant 16 : index
    %get3A_94 = tpu.vector_load %arg4[%get3A_92, %get3A_93] {strides = array<i32>} : memref<8x128xf32, #tpu.memory_space<vmem>>, vector<1x16xf32>,
    %get3A_95 = vector.shape_cast %get3A_94 : vector<1x16xf32> to vector<16xf32>
    %mul3A_96 = arith.mulf %get3A_95, %get3A_95 : vector<16xf32>
    %add3A_97 = arith.addf %broadcast_in_dim3A_0, %mul3A_96 : vector<16xf32>
    %add3A_98 = arith.addf %broadcast_in_dim3A_0, %get3A_95 : vector<16xf32>
    %get3A_99 = arith.constant 1 : i32
    %get3A_100 = arith.index_cast %get3A_99 : i32 to index
    %get3A_101 = arith.constant 16 : index
    %get3A_102 = tpu.vector_load %arg4[%get3A_100, %get3A_101] {strides = array<i32>} : memref<8x128xf32, #tpu.memory_space<vmem>>, vector<1x16xf32>,
    %get3A_103 = vector.shape_cast %get3A_102 : vector<1x16xf32> to vector<16xf32>
    %mul3A_104 = arith.mulf %get3A_103, %get3A_103 : vector<16xf32>
    %add3A_105 = arith.addf %add3A_97, %mul3A_104 : vector<16xf32>
    %add3A_106 = arith.addf %add3A_98, %get3A_103 : vector<16xf32>
    %get3A_107 = arith.constant 2 : i32
    %get3A_108 = arith.index_cast %get3A_107 : i32 to index
    %get3A_109 = arith.constant 16 : index
    %get3A_110 = tpu.vector_load %arg4[%get3A_108, %get3A_109] {strides = array<i32>} : memref<8x128xf32, #tpu.memory_space<vmem>>, vector<1x16xf32>,
    %get3A_111 = vector.shape_cast %get3A_110 : vector<1x16xf32> to vector<16xf32>
    %mul3A_112 = arith.mulf %get3A_111, %get3A_111 : vector<16xf32>
    %add3A_113 = arith.addf %add3A_105, %mul3A_112 : vector<16xf32>
    %add3A_114 = arith.addf %add3A_106, %get3A_111 : vector<16xf32>
    %get3A_115 = arith.constant 3 : i32
    %get3A_116 = arith.index_cast %get3A_115 : i32 to index
    %get3A_117 = arith.constant 16 : index
    %get3A_118 = tpu.vector_load %arg4[%get3A_116, %get3A_117] {strides = array<i32>} : memref<8x128xf32, #tpu.memory_space<vmem>>, vector<1x16xf32>,
    %get3A_119 = vector.shape_cast %get3A_118 : vector<1x16xf32> to vector<16xf32>
    %mul3A_120 = arith.mulf %get3A_119, %get3A_119 : vector<16xf32>
    %add3A_121 = arith.addf %add3A_113, %mul3A_120 : vector<16xf32>
    %add3A_122 = arith.addf %add3A_114, %get3A_119 : vector<16xf32>
    %get3A_123 = arith.constant 4 : i32
    %get3A_124 = arith.index_cast %get3A_123 : i32 to index
    %get3A_125 = arith.constant 16 : index
    %get3A_126 = tpu.vector_load %arg4[%get3A_124, %get3A_125] {strides = array<i32>} : memref<8x128xf32, #tpu.memory_space<vmem>>, vector<1x16xf32>,
    %get3A_127 = vector.shape_cast %get3A_126 : vector<1x16xf32> to vector<16xf32>
    %mul3A_128 = arith.mulf %get3A_127, %get3A_127 : vector<16xf32>
    %add3A_129 = arith.addf %add3A_121, %mul3A_128 : vector<16xf32>
    %add3A_130 = arith.addf %add3A_122, %get3A_127 : vector<16xf32>
    %get3A_131 = arith.constant 5 : i32
    %get3A_132 = arith.index_cast %get3A_131 : i32 to index
    %get3A_133 = arith.constant 16 : index
    %get3A_134 = tpu.vector_load %arg4[%get3A_132, %get3A_133] {strides = array<i32>} : memref<8x128xf32, #tpu.memory_space<vmem>>, vector<1x16xf32>,
    %get3A_135 = vector.shape_cast %get3A_134 : vector<1x16xf32> to vector<16xf32>
    %mul3A_136 = arith.mulf %get3A_135, %get3A_135 : vector<16xf32>
    %add3A_137 = arith.addf %add3A_129, %mul3A_136 : vector<16xf32>
    %add3A_138 = arith.addf %add3A_130, %get3A_135 : vector<16xf32>
    %get3A_139 = arith.constant 6 : i32
    %get3A_140 = arith.index_cast %get3A_139 : i32 to index
    %get3A_141 = arith.constant 16 : index
    %get3A_142 = tpu.vector_load %arg4[%get3A_140, %get3A_141] {strides = array<i32>} : memref<8x128xf32, #tpu.memory_space<vmem>>, vector<1x16xf32>,
    %get3A_143 = vector.shape_cast %get3A_142 : vector<1x16xf32> to vector<16xf32>
    %mul3A_144 = arith.mulf %get3A_143, %get3A_143 : vector<16xf32>
    %add3A_145 = arith.addf %add3A_137, %mul3A_144 : vector<16xf32>
    %add3A_146 = arith.addf %add3A_138, %get3A_143 : vector<16xf32>
    %get3A_147 = arith.constant 7 : i32
    %get3A_148 = arith.index_cast %get3A_147 : i32 to index
    %get3A_149 = arith.constant 16 : index
    %get3A_150 = tpu.vector_load %arg4[%get3A_148, %get3A_149] {strides = array<i32>} : memref<8x128xf32, #tpu.memory_space<vmem>>, vector<1x16xf32>,
    %get3A_151 = vector.shape_cast %get3A_150 : vector<1x16xf32> to vector<16xf32>
    %mul3A_152 = arith.mulf %get3A_151, %get3A_151 : vector<16xf32>
    %add3A_153 = arith.addf %add3A_145, %mul3A_152 : vector<16xf32>
    %add3A_154 = arith.addf %add3A_146, %get3A_151 : vector<16xf32>
    %mul3A_155 = arith.mulf %add3A_154, %add3A_154 : vector<16xf32>
    %get3A_156 = arith.constant 0 : i32
    %get3A_157 = arith.index_cast %get3A_156 : i32 to index
    %get3A_158 = arith.constant 32 : index
    %get3A_159 = tpu.vector_load %arg4[%get3A_157, %get3A_158] {strides = array<i32>} : memref<8x128xf32, #tpu.memory_space<vmem>>, vector<1x16xf32>,
    %get3A_160 = vector.shape_cast %get3A_159 : vector<1x16xf32> to vector<16xf32>
    %mul3A_161 = arith.mulf %get3A_160, %get3A_160 : vector<16xf32>
    %add3A_162 = arith.addf %broadcast_in_dim3A_0, %mul3A_161 : vector<16xf32>
    %add3A_163 = arith.addf %broadcast_in_dim3A_0, %get3A_160 : vector<16xf32>
    %get3A_164 = arith.constant 1 : i32
    %get3A_165 = arith.index_cast %get3A_164 : i32 to index
    %get3A_166 = arith.constant 32 : index
    %get3A_167 = tpu.vector_load %arg4[%get3A_165, %get3A_166] {strides = array<i32>} : memref<8x128xf32, #tpu.memory_space<vmem>>, vector<1x16xf32>,
    %get3A_168 = vector.shape_cast %get3A_167 : vector<1x16xf32> to vector<16xf32>
    %mul3A_169 = arith.mulf %get3A_168, %get3A_168 : vector<16xf32>
    %add3A_170 = arith.addf %add3A_162, %mul3A_169 : vector<16xf32>
    %add3A_171 = arith.addf %add3A_163, %get3A_168 : vector<16xf32>
    %get3A_172 = arith.constant 2 : i32
    %get3A_173 = arith.index_cast %get3A_172 : i32 to index
    %get3A_174 = arith.constant 32 : index
    %get3A_175 = tpu.vector_load %arg4[%get3A_173, %get3A_174] {strides = array<i32>} : memref<8x128xf32, #tpu.memory_space<vmem>>, vector<1x16xf32>,
    %get3A_176 = vector.shape_cast %get3A_175 : vector<1x16xf32> to vector<16xf32>
    %mul3A_177 = arith.mulf %get3A_176, %get3A_176 : vector<16xf32>
    %add3A_178 = arith.addf %add3A_170, %mul3A_177 : vector<16xf32>
    %add3A_179 = arith.addf %add3A_171, %get3A_176 : vector<16xf32>
    %get3A_180 = arith.constant 3 : i32
    %get3A_181 = arith.index_cast %get3A_180 : i32 to index
    %get3A_182 = arith.constant 32 : index
    %get3A_183 = tpu.vector_load %arg4[%get3A_181, %get3A_182] {strides = array<i32>} : memref<8x128xf32, #tpu.memory_space<vmem>>, vector<1x16xf32>,
    %get3A_184 = vector.shape_cast %get3A_183 : vector<1x16xf32> to vector<16xf32>
    %mul3A_185 = arith.mulf %get3A_184, %get3A_184 : vector<16xf32>
    %add3A_186 = arith.addf %add3A_178, %mul3A_185 : vector<16xf32>
    %add3A_187 = arith.addf %add3A_179, %get3A_184 : vector<16xf32>
    %get3A_188 = arith.constant 4 : i32
    %get3A_189 = arith.index_cast %get3A_188 : i32 to index
    %get3A_190 = arith.constant 32 : index
    %get3A_191 = tpu.vector_load %arg4[%get3A_189, %get3A_190] {strides = array<i32>} : memref<8x128xf32, #tpu.memory_space<vmem>>, vector<1x16xf32>,
    %get3A_192 = vector.shape_cast %get3A_191 : vector<1x16xf32> to vector<16xf32>
    %mul3A_193 = arith.mulf %get3A_192, %get3A_192 : vector<16xf32>
    %add3A_194 = arith.addf %add3A_186, %mul3A_193 : vector<16xf32>
    %add3A_195 = arith.addf %add3A_187, %get3A_192 : vector<16xf32>
    %get3A_196 = arith.constant 5 : i32
    %get3A_197 = arith.index_cast %get3A_196 : i32 to index
    %get3A_198 = arith.constant 32 : index
    %get3A_199 = tpu.vector_load %arg4[%get3A_197, %get3A_198] {strides = array<i32>} : memref<8x128xf32, #tpu.memory_space<vmem>>, vector<1x16xf32>,
    %get3A_200 = vector.shape_cast %get3A_199 : vector<1x16xf32> to vector<16xf32>
    %mul3A_201 = arith.mulf %get3A_200, %get3A_200 : vector<16xf32>
    %add3A_202 = arith.addf %add3A_194, %mul3A_201 : vector<16xf32>
    %add3A_203 = arith.addf %add3A_195, %get3A_200 : vector<16xf32>
    %get3A_204 = arith.constant 6 : i32
    %get3A_205 = arith.index_cast %get3A_204 : i32 to index
    %get3A_206 = arith.constant 32 : index
    %get3A_207 = tpu.vector_load %arg4[%get3A_205, %get3A_206] {strides = array<i32>} : memref<8x128xf32, #tpu.memory_space<vmem>>, vector<1x16xf32>,
    %get3A_208 = vector.shape_cast %get3A_207 : vector<1x16xf32> to vector<16xf32>
    %mul3A_209 = arith.mulf %get3A_208, %get3A_208 : vector<16xf32>
    %add3A_210 = arith.addf %add3A_202, %mul3A_209 : vector<16xf32>
    %add3A_211 = arith.addf %add3A_203, %get3A_208 : vector<16xf32>
    %get3A_212 = arith.constant 7 : i32
    %get3A_213 = arith.index_cast %get3A_212 : i32 to index
    %get3A_214 = arith.constant 32 : index
    %get3A_215 = tpu.vector_load %arg4[%get3A_213, %get3A_214] {strides = array<i32>} : memref<8x128xf32, #tpu.memory_space<vmem>>, vector<1x16xf32>,
    %get3A_216 = vector.shape_cast %get3A_215 : vector<1x16xf32> to vector<16xf32>
    %mul3A_217 = arith.mulf %get3A_216, %get3A_216 : vector<16xf32>
    %add3A_218 = arith.addf %add3A_210, %mul3A_217 : vector<16xf32>
    %add3A_219 = arith.addf %add3A_211, %get3A_216 : vector<16xf32>
    %mul3A_220 = arith.mulf %add3A_219, %add3A_219 : vector<16xf32>
    %get3A_221 = arith.constant 0 : i32
    %get3A_222 = arith.index_cast %get3A_221 : i32 to index
    %get3A_223 = arith.constant 48 : index
    %get3A_224 = tpu.vector_load %arg4[%get3A_222, %get3A_223] {strides = array<i32>} : memref<8x128xf32, #tpu.memory_space<vmem>>, vector<1x16xf32>,
    %get3A_225 = vector.shape_cast %get3A_224 : vector<1x16xf32> to vector<16xf32>
    %mul3A_226 = arith.mulf %get3A_225, %get3A_225 : vector<16xf32>
    %add3A_227 = arith.addf %broadcast_in_dim3A_0, %mul3A_226 : vector<16xf32>
    %add3A_228 = arith.addf %broadcast_in_dim3A_0, %get3A_225 : vector<16xf32>
    %get3A_229 = arith.constant 1 : i32
    %get3A_230 = arith.index_cast %get3A_229 : i32 to index
    %get3A_231 = arith.constant 48 : index
    %get3A_232 = tpu.vector_load %arg4[%get3A_230, %get3A_231] {strides = array<i32>} : memref<8x128xf32, #tpu.memory_space<vmem>>, vector<1x16xf32>,
    %get3A_233 = vector.shape_cast %get3A_232 : vector<1x16xf32> to vector<16xf32>
    %mul3A_234 = arith.mulf %get3A_233, %get3A_233 : vector<16xf32>
    %add3A_235 = arith.addf %add3A_227, %mul3A_234 : vector<16xf32>
    %add3A_236 = arith.addf %add3A_228, %get3A_233 : vector<16xf32>
    %get3A_237 = arith.constant 2 : i32
    %get3A_238 = arith.index_cast %get3A_237 : i32 to index
    %get3A_239 = arith.constant 48 : index
    %get3A_240 = tpu.vector_load %arg4[%get3A_238, %get3A_239] {strides = array<i32>} : memref<8x128xf32, #tpu.memory_space<vmem>>, vector<1x16xf32>,
    %get3A_241 = vector.shape_cast %get3A_240 : vector<1x16xf32> to vector<16xf32>
    %mul3A_242 = arith.mulf %get3A_241, %get3A_241 : vector<16xf32>
    %add3A_243 = arith.addf %add3A_235, %mul3A_242 : vector<16xf32>
    %add3A_244 = arith.addf %add3A_236, %get3A_241 : vector<16xf32>
    %get3A_245 = arith.constant 3 : i32
    %get3A_246 = arith.index_cast %get3A_245 : i32 to index
    %get3A_247 = arith.constant 48 : index
    %get3A_248 = tpu.vector_load %arg4[%get3A_246, %get3A_247] {strides = array<i32>} : memref<8x128xf32, #tpu.memory_space<vmem>>, vector<1x16xf32>,
    %get3A_249 = vector.shape_cast %get3A_248 : vector<1x16xf32> to vector<16xf32>
    %mul3A_250 = arith.mulf %get3A_249, %get3A_249 : vector<16xf32>
    %add3A_251 = arith.addf %add3A_243, %mul3A_250 : vector<16xf32>
    %add3A_252 = arith.addf %add3A_244, %get3A_249 : vector<16xf32>
    %get3A_253 = arith.constant 4 : i32
    %get3A_254 = arith.index_cast %get3A_253 : i32 to index
    %get3A_255 = arith.constant 48 : index
    %get3A_256 = tpu.vector_load %arg4[%get3A_254, %get3A_255] {strides = array<i32>} : memref<8x128xf32, #tpu.memory_space<vmem>>, vector<1x16xf32>,
    %get3A_257 = vector.shape_cast %get3A_256 : vector<1x16xf32> to vector<16xf32>
    %mul3A_258 = arith.mulf %get3A_257, %get3A_257 : vector<16xf32>
    %add3A_259 = arith.addf %add3A_251, %mul3A_258 : vector<16xf32>
    %add3A_260 = arith.addf %add3A_252, %get3A_257 : vector<16xf32>
    %get3A_261 = arith.constant 5 : i32
    %get3A_262 = arith.index_cast %get3A_261 : i32 to index
    %get3A_263 = arith.constant 48 : index
    %get3A_264 = tpu.vector_load %arg4[%get3A_262, %get3A_263] {strides = array<i32>} : memref<8x128xf32, #tpu.memory_space<vmem>>, vector<1x16xf32>,
    %get3A_265 = vector.shape_cast %get3A_264 : vector<1x16xf32> to vector<16xf32>
    %mul3A_266 = arith.mulf %get3A_265, %get3A_265 : vector<16xf32>
    %add3A_267 = arith.addf %add3A_259, %mul3A_266 : vector<16xf32>
    %add3A_268 = arith.addf %add3A_260, %get3A_265 : vector<16xf32>
    %get3A_269 = arith.constant 6 : i32
    %get3A_270 = arith.index_cast %get3A_269 : i32 to index
    %get3A_271 = arith.constant 48 : index
    %get3A_272 = tpu.vector_load %arg4[%get3A_270, %get3A_271] {strides = array<i32>} : memref<8x128xf32, #tpu.memory_space<vmem>>, vector<1x16xf32>,
    %get3A_273 = vector.shape_cast %get3A_272 : vector<1x16xf32> to vector<16xf32>
    %mul3A_274 = arith.mulf %get3A_273, %get3A_273 : vector<16xf32>
    %add3A_275 = arith.addf %add3A_267, %mul3A_274 : vector<16xf32>
    %add3A_276 = arith.addf %add3A_268, %get3A_273 : vector<16xf32>
    %get3A_277 = arith.constant 7 : i32
    %get3A_278 = arith.index_cast %get3A_277 : i32 to index
    %get3A_279 = arith.constant 48 : index
    %get3A_280 = tpu.vector_load %arg4[%get3A_278, %get3A_279] {strides = array<i32>} : memref<8x128xf32, #tpu.memory_space<vmem>>, vector<1x16xf32>,
    %get3A_281 = vector.shape_cast %get3A_280 : vector<1x16xf32> to vector<16xf32>
    %mul3A_282 = arith.mulf %get3A_281, %get3A_281 : vector<16xf32>
    %add3A_283 = arith.addf %add3A_275, %mul3A_282 : vector<16xf32>
    %add3A_284 = arith.addf %add3A_276, %get3A_281 : vector<16xf32>
    %mul3A_285 = arith.mulf %add3A_284, %add3A_284 : vector<16xf32>
    %get3A_286 = arith.constant 0 : i32
    %get3A_287 = arith.index_cast %get3A_286 : i32 to index
    %get3A_288 = arith.constant 64 : index
    %get3A_289 = tpu.vector_load %arg4[%get3A_287, %get3A_288] {strides = array<i32>} : memref<8x128xf32, #tpu.memory_space<vmem>>, vector<1x16xf32>,
    %get3A_290 = vector.shape_cast %get3A_289 : vector<1x16xf32> to vector<16xf32>
    %mul3A_291 = arith.mulf %get3A_290, %get3A_290 : vector<16xf32>
    %add3A_292 = arith.addf %broadcast_in_dim3A_0, %mul3A_291 : vector<16xf32>
    %add3A_293 = arith.addf %broadcast_in_dim3A_0, %get3A_290 : vector<16xf32>
    %get3A_294 = arith.constant 1 : i32
    %get3A_295 = arith.index_cast %get3A_294 : i32 to index
    %get3A_296 = arith.constant 64 : index
    %get3A_297 = tpu.vector_load %arg4[%get3A_295, %get3A_296] {strides = array<i32>} : memref<8x128xf32, #tpu.memory_space<vmem>>, vector<1x16xf32>,
    %get3A_298 = vector.shape_cast %get3A_297 : vector<1x16xf32> to vector<16xf32>
    %mul3A_299 = arith.mulf %get3A_298, %get3A_298 : vector<16xf32>
    %add3A_300 = arith.addf %add3A_292, %mul3A_299 : vector<16xf32>
    %add3A_301 = arith.addf %add3A_293, %get3A_298 : vector<16xf32>
    %get3A_302 = arith.constant 2 : i32
    %get3A_303 = arith.index_cast %get3A_302 : i32 to index
    %get3A_304 = arith.constant 64 : index
    %get3A_305 = tpu.vector_load %arg4[%get3A_303, %get3A_304] {strides = array<i32>} : memref<8x128xf32, #tpu.memory_space<vmem>>, vector<1x16xf32>,
    %get3A_306 = vector.shape_cast %get3A_305 : vector<1x16xf32> to vector<16xf32>
    %mul3A_307 = arith.mulf %get3A_306, %get3A_306 : vector<16xf32>
    %add3A_308 = arith.addf %add3A_300, %mul3A_307 : vector<16xf32>
    %add3A_309 = arith.addf %add3A_301, %get3A_306 : vector<16xf32>
    %get3A_310 = arith.constant 3 : i32
    %get3A_311 = arith.index_cast %get3A_310 : i32 to index
    %get3A_312 = arith.constant 64 : index
    %get3A_313 = tpu.vector_load %arg4[%get3A_311, %get3A_312] {strides = array<i32>} : memref<8x128xf32, #tpu.memory_space<vmem>>, vector<1x16xf32>,
    %get3A_314 = vector.shape_cast %get3A_313 : vector<1x16xf32> to vector<16xf32>
    %mul3A_315 = arith.mulf %get3A_314, %get3A_314 : vector<16xf32>
    %add3A_316 = arith.addf %add3A_308, %mul3A_315 : vector<16xf32>
    %add3A_317 = arith.addf %add3A_309, %get3A_314 : vector<16xf32>
    %get3A_318 = arith.constant 4 : i32
    %get3A_319 = arith.index_cast %get3A_318 : i32 to index
    %get3A_320 = arith.constant 64 : index
    %get3A_321 = tpu.vector_load %arg4[%get3A_319, %get3A_320] {strides = array<i32>} : memref<8x128xf32, #tpu.memory_space<vmem>>, vector<1x16xf32>,
    %get3A_322 = vector.shape_cast %get3A_321 : vector<1x16xf32> to vector<16xf32>
    %mul3A_323 = arith.mulf %get3A_322, %get3A_322 : vector<16xf32>
    %add3A_324 = arith.addf %add3A_316, %mul3A_323 : vector<16xf32>
    %add3A_325 = arith.addf %add3A_317, %get3A_322 : vector<16xf32>
    %get3A_326 = arith.constant 5 : i32
    %get3A_327 = arith.index_cast %get3A_326 : i32 to index
    %get3A_328 = arith.constant 64 : index
    %get3A_329 = tpu.vector_load %arg4[%get3A_327, %get3A_328] {strides = array<i32>} : memref<8x128xf32, #tpu.memory_space<vmem>>, vector<1x16xf32>,
    %get3A_330 = vector.shape_cast %get3A_329 : vector<1x16xf32> to vector<16xf32>
    %mul3A_331 = arith.mulf %get3A_330, %get3A_330 : vector<16xf32>
    %add3A_332 = arith.addf %add3A_324, %mul3A_331 : vector<16xf32>
    %add3A_333 = arith.addf %add3A_325, %get3A_330 : vector<16xf32>
    %get3A_334 = arith.constant 6 : i32
    %get3A_335 = arith.index_cast %get3A_334 : i32 to index
    %get3A_336 = arith.constant 64 : index
    %get3A_337 = tpu.vector_load %arg4[%get3A_335, %get3A_336] {strides = array<i32>} : memref<8x128xf32, #tpu.memory_space<vmem>>, vector<1x16xf32>,
    %get3A_338 = vector.shape_cast %get3A_337 : vector<1x16xf32> to vector<16xf32>
    %mul3A_339 = arith.mulf %get3A_338, %get3A_338 : vector<16xf32>
    %add3A_340 = arith.addf %add3A_332, %mul3A_339 : vector<16xf32>
    %add3A_341 = arith.addf %add3A_333, %get3A_338 : vector<16xf32>
    %get3A_342 = arith.constant 7 : i32
    %get3A_343 = arith.index_cast %get3A_342 : i32 to index
    %get3A_344 = arith.constant 64 : index
    %get3A_345 = tpu.vector_load %arg4[%get3A_343, %get3A_344] {strides = array<i32>} : memref<8x128xf32, #tpu.memory_space<vmem>>, vector<1x16xf32>,
    %get3A_346 = vector.shape_cast %get3A_345 : vector<1x16xf32> to vector<16xf32>
    %mul3A_347 = arith.mulf %get3A_346, %get3A_346 : vector<16xf32>
    %add3A_348 = arith.addf %add3A_340, %mul3A_347 : vector<16xf32>
    %add3A_349 = arith.addf %add3A_341, %get3A_346 : vector<16xf32>
    %mul3A_350 = arith.mulf %add3A_349, %add3A_349 : vector<16xf32>
    %get3A_351 = arith.constant 0 : i32
    %get3A_352 = arith.index_cast %get3A_351 : i32 to index
    %get3A_353 = arith.constant 80 : index
    %get3A_354 = tpu.vector_load %arg4[%get3A_352, %get3A_353] {strides = array<i32>} : memref<8x128xf32, #tpu.memory_space<vmem>>, vector<1x16xf32>,
    %get3A_355 = vector.shape_cast %get3A_354 : vector<1x16xf32> to vector<16xf32>
    %mul3A_356 = arith.mulf %get3A_355, %get3A_355 : vector<16xf32>
    %add3A_357 = arith.addf %broadcast_in_dim3A_0, %mul3A_356 : vector<16xf32>
    %add3A_358 = arith.addf %broadcast_in_dim3A_0, %get3A_355 : vector<16xf32>
    %get3A_359 = arith.constant 1 : i32
    %get3A_360 = arith.index_cast %get3A_359 : i32 to index
    %get3A_361 = arith.constant 80 : index
    %get3A_362 = tpu.vector_load %arg4[%get3A_360, %get3A_361] {strides = array<i32>} : memref<8x128xf32, #tpu.memory_space<vmem>>, vector<1x16xf32>,
    %get3A_363 = vector.shape_cast %get3A_362 : vector<1x16xf32> to vector<16xf32>
    %mul3A_364 = arith.mulf %get3A_363, %get3A_363 : vector<16xf32>
    %add3A_365 = arith.addf %add3A_357, %mul3A_364 : vector<16xf32>
    %add3A_366 = arith.addf %add3A_358, %get3A_363 : vector<16xf32>
    %get3A_367 = arith.constant 2 : i32
    %get3A_368 = arith.index_cast %get3A_367 : i32 to index
    %get3A_369 = arith.constant 80 : index
    %get3A_370 = tpu.vector_load %arg4[%get3A_368, %get3A_369] {strides = array<i32>} : memref<8x128xf32, #tpu.memory_space<vmem>>, vector<1x16xf32>,
    %get3A_371 = vector.shape_cast %get3A_370 : vector<1x16xf32> to vector<16xf32>
    %mul3A_372 = arith.mulf %get3A_371, %get3A_371 : vector<16xf32>
    %add3A_373 = arith.addf %add3A_365, %mul3A_372 : vector<16xf32>
    %add3A_374 = arith.addf %add3A_366, %get3A_371 : vector<16xf32>
    %get3A_375 = arith.constant 3 : i32
    %get3A_376 = arith.index_cast %get3A_375 : i32 to index
    %get3A_377 = arith.constant 80 : index
    %get3A_378 = tpu.vector_load %arg4[%get3A_376, %get3A_377] {strides = array<i32>} : memref<8x128xf32, #tpu.memory_space<vmem>>, vector<1x16xf32>,
    %get3A_379 = vector.shape_cast %get3A_378 : vector<1x16xf32> to vector<16xf32>
    %mul3A_380 = arith.mulf %get3A_379, %get3A_379 : vector<16xf32>
    %add3A_381 = arith.addf %add3A_373, %mul3A_380 : vector<16xf32>
    %add3A_382 = arith.addf %add3A_374, %get3A_379 : vector<16xf32>
    %get3A_383 = arith.constant 4 : i32
    %get3A_384 = arith.index_cast %get3A_383 : i32 to index
    %get3A_385 = arith.constant 80 : index
    %get3A_386 = tpu.vector_load %arg4[%get3A_384, %get3A_385] {strides = array<i32>} : memref<8x128xf32, #tpu.memory_space<vmem>>, vector<1x16xf32>,
    %get3A_387 = vector.shape_cast %get3A_386 : vector<1x16xf32> to vector<16xf32>
    %mul3A_388 = arith.mulf %get3A_387, %get3A_387 : vector<16xf32>
    %add3A_389 = arith.addf %add3A_381, %mul3A_388 : vector<16xf32>
    %add3A_390 = arith.addf %add3A_382, %get3A_387 : vector<16xf32>
    %get3A_391 = arith.constant 5 : i32
    %get3A_392 = arith.index_cast %get3A_391 : i32 to index
    %get3A_393 = arith.constant 80 : index
    %get3A_394 = tpu.vector_load %arg4[%get3A_392, %get3A_393] {strides = array<i32>} : memref<8x128xf32, #tpu.memory_space<vmem>>, vector<1x16xf32>,
    %get3A_395 = vector.shape_cast %get3A_394 : vector<1x16xf32> to vector<16xf32>
    %mul3A_396 = arith.mulf %get3A_395, %get3A_395 : vector<16xf32>
    %add3A_397 = arith.addf %add3A_389, %mul3A_396 : vector<16xf32>
    %add3A_398 = arith.addf %add3A_390, %get3A_395 : vector<16xf32>
    %get3A_399 = arith.constant 6 : i32
    %get3A_400 = arith.index_cast %get3A_399 : i32 to index
    %get3A_401 = arith.constant 80 : index
    %get3A_402 = tpu.vector_load %arg4[%get3A_400, %get3A_401] {strides = array<i32>} : memref<8x128xf32, #tpu.memory_space<vmem>>, vector<1x16xf32>,
    %get3A_403 = vector.shape_cast %get3A_402 : vector<1x16xf32> to vector<16xf32>
    %mul3A_404 = arith.mulf %get3A_403, %get3A_403 : vector<16xf32>
    %add3A_405 = arith.addf %add3A_397, %mul3A_404 : vector<16xf32>
    %add3A_406 = arith.addf %add3A_398, %get3A_403 : vector<16xf32>
    %get3A_407 = arith.constant 7 : i32
    %get3A_408 = arith.index_cast %get3A_407 : i32 to index
    %get3A_409 = arith.constant 80 : index
    %get3A_410 = tpu.vector_load %arg4[%get3A_408, %get3A_409] {strides = array<i32>} : memref<8x128xf32, #tpu.memory_space<vmem>>, vector<1x16xf32>,
    %get3A_411 = vector.shape_cast %get3A_410 : vector<1x16xf32> to vector<16xf32>
    %mul3A_412 = arith.mulf %get3A_411, %get3A_411 : vector<16xf32>
    %add3A_413 = arith.addf %add3A_405, %mul3A_412 : vector<16xf32>
    %add3A_414 = arith.addf %add3A_406, %get3A_411 : vector<16xf32>
    %mul3A_415 = arith.mulf %add3A_414, %add3A_414 : vector<16xf32>
    %get3A_416 = arith.constant 0 : i32
    %get3A_417 = arith.index_cast %get3A_416 : i32 to index
    %get3A_418 = arith.constant 96 : index
    %get3A_419 = tpu.vector_load %arg4[%get3A_417, %get3A_418] {strides = array<i32>} : memref<8x128xf32, #tpu.memory_space<vmem>>, vector<1x16xf32>,
    %get3A_420 = vector.shape_cast %get3A_419 : vector<1x16xf32> to vector<16xf32>
    %mul3A_421 = arith.mulf %get3A_420, %get3A_420 : vector<16xf32>
    %add3A_422 = arith.addf %broadcast_in_dim3A_0, %mul3A_421 : vector<16xf32>
    %add3A_423 = arith.addf %broadcast_in_dim3A_0, %get3A_420 : vector<16xf32>
    %get3A_424 = arith.constant 1 : i32
    %get3A_425 = arith.index_cast %get3A_424 : i32 to index
    %get3A_426 = arith.constant 96 : index
    %get3A_427 = tpu.vector_load %arg4[%get3A_425, %get3A_426] {strides = array<i32>} : memref<8x128xf32, #tpu.memory_space<vmem>>, vector<1x16xf32>,
    %get3A_428 = vector.shape_cast %get3A_427 : vector<1x16xf32> to vector<16xf32>
    %mul3A_429 = arith.mulf %get3A_428, %get3A_428 : vector<16xf32>
    %add3A_430 = arith.addf %add3A_422, %mul3A_429 : vector<16xf32>
    %add3A_431 = arith.addf %add3A_423, %get3A_428 : vector<16xf32>
    %get3A_432 = arith.constant 2 : i32
    %get3A_433 = arith.index_cast %get3A_432 : i32 to index
    %get3A_434 = arith.constant 96 : index
    %get3A_435 = tpu.vector_load %arg4[%get3A_433, %get3A_434] {strides = array<i32>} : memref<8x128xf32, #tpu.memory_space<vmem>>, vector<1x16xf32>,
    %get3A_436 = vector.shape_cast %get3A_435 : vector<1x16xf32> to vector<16xf32>
    %mul3A_437 = arith.mulf %get3A_436, %get3A_436 : vector<16xf32>
    %add3A_438 = arith.addf %add3A_430, %mul3A_437 : vector<16xf32>
    %add3A_439 = arith.addf %add3A_431, %get3A_436 : vector<16xf32>
    %get3A_440 = arith.constant 3 : i32
    %get3A_441 = arith.index_cast %get3A_440 : i32 to index
    %get3A_442 = arith.constant 96 : index
    %get3A_443 = tpu.vector_load %arg4[%get3A_441, %get3A_442] {strides = array<i32>} : memref<8x128xf32, #tpu.memory_space<vmem>>, vector<1x16xf32>,
    %get3A_444 = vector.shape_cast %get3A_443 : vector<1x16xf32> to vector<16xf32>
    %mul3A_445 = arith.mulf %get3A_444, %get3A_444 : vector<16xf32>
    %add3A_446 = arith.addf %add3A_438, %mul3A_445 : vector<16xf32>
    %add3A_447 = arith.addf %add3A_439, %get3A_444 : vector<16xf32>
    %get3A_448 = arith.constant 4 : i32
    %get3A_449 = arith.index_cast %get3A_448 : i32 to index
    %get3A_450 = arith.constant 96 : index
    %get3A_451 = tpu.vector_load %arg4[%get3A_449, %get3A_450] {strides = array<i32>} : memref<8x128xf32, #tpu.memory_space<vmem>>, vector<1x16xf32>,
    %get3A_452 = vector.shape_cast %get3A_451 : vector<1x16xf32> to vector<16xf32>
    %mul3A_453 = arith.mulf %get3A_452, %get3A_452 : vector<16xf32>
    %add3A_454 = arith.addf %add3A_446, %mul3A_453 : vector<16xf32>
    %add3A_455 = arith.addf %add3A_447, %get3A_452 : vector<16xf32>
    %get3A_456 = arith.constant 5 : i32
    %get3A_457 = arith.index_cast %get3A_456 : i32 to index
    %get3A_458 = arith.constant 96 : index
    %get3A_459 = tpu.vector_load %arg4[%get3A_457, %get3A_458] {strides = array<i32>} : memref<8x128xf32, #tpu.memory_space<vmem>>, vector<1x16xf32>,
    %get3A_460 = vector.shape_cast %get3A_459 : vector<1x16xf32> to vector<16xf32>
    %mul3A_461 = arith.mulf %get3A_460, %get3A_460 : vector<16xf32>
    %add3A_462 = arith.addf %add3A_454, %mul3A_461 : vector<16xf32>
    %add3A_463 = arith.addf %add3A_455, %get3A_460 : vector<16xf32>
    %get3A_464 = arith.constant 6 : i32
    %get3A_465 = arith.index_cast %get3A_464 : i32 to index
    %get3A_466 = arith.constant 96 : index
    %get3A_467 = tpu.vector_load %arg4[%get3A_465, %get3A_466] {strides = array<i32>} : memref<8x128xf32, #tpu.memory_space<vmem>>, vector<1x16xf32>,
    %get3A_468 = vector.shape_cast %get3A_467 : vector<1x16xf32> to vector<16xf32>
    %mul3A_469 = arith.mulf %get3A_468, %get3A_468 : vector<16xf32>
    %add3A_470 = arith.addf %add3A_462, %mul3A_469 : vector<16xf32>
    %add3A_471 = arith.addf %add3A_463, %get3A_468 : vector<16xf32>
    %get3A_472 = arith.constant 7 : i32
    %get3A_473 = arith.index_cast %get3A_472 : i32 to index
    %get3A_474 = arith.constant 96 : index
    %get3A_475 = tpu.vector_load %arg4[%get3A_473, %get3A_474] {strides = array<i32>} : memref<8x128xf32, #tpu.memory_space<vmem>>, vector<1x16xf32>,
    %get3A_476 = vector.shape_cast %get3A_475 : vector<1x16xf32> to vector<16xf32>
    %mul3A_477 = arith.mulf %get3A_476, %get3A_476 : vector<16xf32>
    %add3A_478 = arith.addf %add3A_470, %mul3A_477 : vector<16xf32>
    %add3A_479 = arith.addf %add3A_471, %get3A_476 : vector<16xf32>
    %mul3A_480 = arith.mulf %add3A_479, %add3A_479 : vector<16xf32>
    %get3A_481 = arith.constant 0 : i32
    %get3A_482 = arith.index_cast %get3A_481 : i32 to index
    %get3A_483 = arith.constant 112 : index
    %get3A_484 = tpu.vector_load %arg4[%get3A_482, %get3A_483] {strides = array<i32>} : memref<8x128xf32, #tpu.memory_space<vmem>>, vector<1x16xf32>,
    %get3A_485 = vector.shape_cast %get3A_484 : vector<1x16xf32> to vector<16xf32>
    %mul3A_486 = arith.mulf %get3A_485, %get3A_485 : vector<16xf32>
    %add3A_487 = arith.addf %broadcast_in_dim3A_0, %mul3A_486 : vector<16xf32>
    %add3A_488 = arith.addf %broadcast_in_dim3A_0, %get3A_485 : vector<16xf32>
    %get3A_489 = arith.constant 1 : i32
    %get3A_490 = arith.index_cast %get3A_489 : i32 to index
    %get3A_491 = arith.constant 112 : index
    %get3A_492 = tpu.vector_load %arg4[%get3A_490, %get3A_491] {strides = array<i32>} : memref<8x128xf32, #tpu.memory_space<vmem>>, vector<1x16xf32>,
    %get3A_493 = vector.shape_cast %get3A_492 : vector<1x16xf32> to vector<16xf32>
    %mul3A_494 = arith.mulf %get3A_493, %get3A_493 : vector<16xf32>
    %add3A_495 = arith.addf %add3A_487, %mul3A_494 : vector<16xf32>
    %add3A_496 = arith.addf %add3A_488, %get3A_493 : vector<16xf32>
    %get3A_497 = arith.constant 2 : i32
    %get3A_498 = arith.index_cast %get3A_497 : i32 to index
    %get3A_499 = arith.constant 112 : index
    %get3A_500 = tpu.vector_load %arg4[%get3A_498, %get3A_499] {strides = array<i32>} : memref<8x128xf32, #tpu.memory_space<vmem>>, vector<1x16xf32>,
    %get3A_501 = vector.shape_cast %get3A_500 : vector<1x16xf32> to vector<16xf32>
    %mul3A_502 = arith.mulf %get3A_501, %get3A_501 : vector<16xf32>
    %add3A_503 = arith.addf %add3A_495, %mul3A_502 : vector<16xf32>
    %add3A_504 = arith.addf %add3A_496, %get3A_501 : vector<16xf32>
    %get3A_505 = arith.constant 3 : i32
    %get3A_506 = arith.index_cast %get3A_505 : i32 to index
    %get3A_507 = arith.constant 112 : index
    %get3A_508 = tpu.vector_load %arg4[%get3A_506, %get3A_507] {strides = array<i32>} : memref<8x128xf32, #tpu.memory_space<vmem>>, vector<1x16xf32>,
    %get3A_509 = vector.shape_cast %get3A_508 : vector<1x16xf32> to vector<16xf32>
    %mul3A_510 = arith.mulf %get3A_509, %get3A_509 : vector<16xf32>
    %add3A_511 = arith.addf %add3A_503, %mul3A_510 : vector<16xf32>
    %add3A_512 = arith.addf %add3A_504, %get3A_509 : vector<16xf32>
    %get3A_513 = arith.constant 4 : i32
    %get3A_514 = arith.index_cast %get3A_513 : i32 to index
    %get3A_515 = arith.constant 112 : index
    %get3A_516 = tpu.vector_load %arg4[%get3A_514, %get3A_515] {strides = array<i32>} : memref<8x128xf32, #tpu.memory_space<vmem>>, vector<1x16xf32>,
    %get3A_517 = vector.shape_cast %get3A_516 : vector<1x16xf32> to vector<16xf32>
    %mul3A_518 = arith.mulf %get3A_517, %get3A_517 : vector<16xf32>
    %add3A_519 = arith.addf %add3A_511, %mul3A_518 : vector<16xf32>
    %add3A_520 = arith.addf %add3A_512, %get3A_517 : vector<16xf32>
    %get3A_521 = arith.constant 5 : i32
    %get3A_522 = arith.index_cast %get3A_521 : i32 to index
    %get3A_523 = arith.constant 112 : index
    %get3A_524 = tpu.vector_load %arg4[%get3A_522, %get3A_523] {strides = array<i32>} : memref<8x128xf32, #tpu.memory_space<vmem>>, vector<1x16xf32>,
    %get3A_525 = vector.shape_cast %get3A_524 : vector<1x16xf32> to vector<16xf32>
    %mul3A_526 = arith.mulf %get3A_525, %get3A_525 : vector<16xf32>
    %add3A_527 = arith.addf %add3A_519, %mul3A_526 : vector<16xf32>
    %add3A_528 = arith.addf %add3A_520, %get3A_525 : vector<16xf32>
    %get3A_529 = arith.constant 6 : i32
    %get3A_530 = arith.index_cast %get3A_529 : i32 to index
    %get3A_531 = arith.constant 112 : index
    %get3A_532 = tpu.vector_load %arg4[%get3A_530, %get3A_531] {strides = array<i32>} : memref<8x128xf32, #tpu.memory_space<vmem>>, vector<1x16xf32>,
    %get3A_533 = vector.shape_cast %get3A_532 : vector<1x16xf32> to vector<16xf32>
    %mul3A_534 = arith.mulf %get3A_533, %get3A_533 : vector<16xf32>
    %add3A_535 = arith.addf %add3A_527, %mul3A_534 : vector<16xf32>
    %add3A_536 = arith.addf %add3A_528, %get3A_533 : vector<16xf32>
    %get3A_537 = arith.constant 7 : i32
    %get3A_538 = arith.index_cast %get3A_537 : i32 to index
    %get3A_539 = arith.constant 112 : index
    %get3A_540 = tpu.vector_load %arg4[%get3A_538, %get3A_539] {strides = array<i32>} : memref<8x128xf32, #tpu.memory_space<vmem>>, vector<1x16xf32>,
    %get3A_541 = vector.shape_cast %get3A_540 : vector<1x16xf32> to vector<16xf32>
    %mul3A_542 = arith.mulf %get3A_541, %get3A_541 : vector<16xf32>
    %add3A_543 = arith.addf %add3A_535, %mul3A_542 : vector<16xf32>
    %add3A_544 = arith.addf %add3A_536, %get3A_541 : vector<16xf32>
    %mul3A_545 = arith.mulf %add3A_544, %add3A_544 : vector<16xf32>
    %add3A_546 = arith.addf %add3A_88, %add3A_153 : vector<16xf32>
    %add3A_547 = arith.addf %add3A_218, %add3A_283 : vector<16xf32>
    %add3A_548 = arith.addf %add3A_348, %add3A_413 : vector<16xf32>
    %add3A_549 = arith.addf %add3A_478, %add3A_543 : vector<16xf32>
    %add3A_550 = arith.addf %add3A_546, %add3A_547 : vector<16xf32>
    %add3A_551 = arith.addf %add3A_548, %add3A_549 : vector<16xf32>
    %add3A_552 = arith.addf %add3A_550, %add3A_551 : vector<16xf32>
    %add3A_553 = arith.addf %mul3A_90, %mul3A_155 : vector<16xf32>
    %add3A_554 = arith.addf %mul3A_220, %mul3A_285 : vector<16xf32>
    %add3A_555 = arith.addf %mul3A_350, %mul3A_415 : vector<16xf32>
    %add3A_556 = arith.addf %mul3A_480, %mul3A_545 : vector<16xf32>
    %add3A_557 = arith.addf %add3A_553, %add3A_554 : vector<16xf32>
    %add3A_558 = arith.addf %add3A_555, %add3A_556 : vector<16xf32>
    %add3A_559 = arith.addf %add3A_557, %add3A_558 : vector<16xf32>
    %mul3A_560 = arith.constant 0.0457142852 : f32
    %mul3A_561 = vector.broadcast %mul3A_560 : f32 to vector<16xf32>
    %mul3A_562 = arith.mulf %mul3A_561, %add3A_552 : vector<16xf32>
    %mul3A_563 = arith.constant 0.00571428565 : f32
    %mul3A_564 = vector.broadcast %mul3A_563 : f32 to vector<16xf32>
    %mul3A_565 = arith.mulf %mul3A_564, %add3A_559 : vector<16xf32>
    %sub3A_566 = arith.subf %mul3A_562, %mul3A_565 : vector<16xf32>
    %slice3A = vector.extract_strided_slice %sub3A_566 {offsets = [0], sizes = [1], strides = [1]} : vector<16xf32> to vector<1xf32>
    %squeeze3A = vector.extract %slice3A[0] : f32 from vector<1xf32>
    %slice3A_567 = vector.extract_strided_slice %sub3A_566 {offsets = [1], sizes = [1], strides = [1]} : vector<16xf32> to vector<1xf32>
    %squeeze3A_568 = vector.extract %slice3A_567[0] : f32 from vector<1xf32>
    %add3A_569 = arith.addf %squeeze3A, %squeeze3A_568 : f32
    %slice3A_570 = vector.extract_strided_slice %sub3A_566 {offsets = [2], sizes = [1], strides = [1]} : vector<16xf32> to vector<1xf32>
    %squeeze3A_571 = vector.extract %slice3A_570[0] : f32 from vector<1xf32>
    %add3A_572 = arith.addf %add3A_569, %squeeze3A_571 : f32
    %slice3A_573 = vector.extract_strided_slice %sub3A_566 {offsets = [3], sizes = [1], strides = [1]} : vector<16xf32> to vector<1xf32>
    %squeeze3A_574 = vector.extract %slice3A_573[0] : f32 from vector<1xf32>
    %add3A_575 = arith.addf %add3A_572, %squeeze3A_574 : f32
    %slice3A_576 = vector.extract_strided_slice %sub3A_566 {offsets = [4], sizes = [1], strides = [1]} : vector<16xf32> to vector<1xf32>
    %squeeze3A_577 = vector.extract %slice3A_576[0] : f32 from vector<1xf32>
    %add3A_578 = arith.addf %add3A_575, %squeeze3A_577 : f32
    %slice3A_579 = vector.extract_strided_slice %sub3A_566 {offsets = [5], sizes = [1], strides = [1]} : vector<16xf32> to vector<1xf32>
    %squeeze3A_580 = vector.extract %slice3A_579[0] : f32 from vector<1xf32>
    %add3A_581 = arith.addf %add3A_578, %squeeze3A_580 : f32
    %slice3A_582 = vector.extract_strided_slice %sub3A_566 {offsets = [6], sizes = [1], strides = [1]} : vector<16xf32> to vector<1xf32>
    %squeeze3A_583 = vector.extract %slice3A_582[0] : f32 from vector<1xf32>
    %add3A_584 = arith.addf %add3A_581, %squeeze3A_583 : f32
    %slice3A_585 = vector.extract_strided_slice %sub3A_566 {offsets = [7], sizes = [1], strides = [1]} : vector<16xf32> to vector<1xf32>
    %squeeze3A_586 = vector.extract %slice3A_585[0] : f32 from vector<1xf32>
    %add3A_587 = arith.addf %add3A_584, %squeeze3A_586 : f32
    %slice3A_588 = vector.extract_strided_slice %sub3A_566 {offsets = [8], sizes = [1], strides = [1]} : vector<16xf32> to vector<1xf32>
    %squeeze3A_589 = vector.extract %slice3A_588[0] : f32 from vector<1xf32>
    %add3A_590 = arith.addf %add3A_587, %squeeze3A_589 : f32
    %slice3A_591 = vector.extract_strided_slice %sub3A_566 {offsets = [9], sizes = [1], strides = [1]} : vector<16xf32> to vector<1xf32>
    %squeeze3A_592 = vector.extract %slice3A_591[0] : f32 from vector<1xf32>
    %add3A_593 = arith.addf %add3A_590, %squeeze3A_592 : f32
    %slice3A_594 = vector.extract_strided_slice %sub3A_566 {offsets = [10], sizes = [1], strides = [1]} : vector<16xf32> to vector<1xf32>
    %squeeze3A_595 = vector.extract %slice3A_594[0] : f32 from vector<1xf32>
    %add3A_596 = arith.addf %add3A_593, %squeeze3A_595 : f32
    %slice3A_597 = vector.extract_strided_slice %sub3A_566 {offsets = [11], sizes = [1], strides = [1]} : vector<16xf32> to vector<1xf32>
    %squeeze3A_598 = vector.extract %slice3A_597[0] : f32 from vector<1xf32>
    %add3A_599 = arith.addf %add3A_596, %squeeze3A_598 : f32
    %slice3A_600 = vector.extract_strided_slice %sub3A_566 {offsets = [12], sizes = [1], strides = [1]} : vector<16xf32> to vector<1xf32>
    %squeeze3A_601 = vector.extract %slice3A_600[0] : f32 from vector<1xf32>
    %add3A_602 = arith.addf %add3A_599, %squeeze3A_601 : f32
    %slice3A_603 = vector.extract_strided_slice %sub3A_566 {offsets = [13], sizes = [1], strides = [1]} : vector<16xf32> to vector<1xf32>
    %squeeze3A_604 = vector.extract %slice3A_603[0] : f32 from vector<1xf32>
    %add3A_605 = arith.addf %add3A_602, %squeeze3A_604 : f32
    %slice3A_606 = vector.extract_strided_slice %sub3A_566 {offsets = [14], sizes = [1], strides = [1]} : vector<16xf32> to vector<1xf32>
    %squeeze3A_607 = vector.extract %slice3A_606[0] : f32 from vector<1xf32>
    %add3A_608 = arith.addf %add3A_605, %squeeze3A_607 : f32
    %slice3A_609 = vector.extract_strided_slice %sub3A_566 {offsets = [15], sizes = [1], strides = [1]} : vector<16xf32> to vector<1xf32>
    %squeeze3A_610 = vector.extract %slice3A_609[0] : f32 from vector<1xf32>
    %add3A_611 = arith.addf %add3A_608, %squeeze3A_610 : f32
    %broadcast_in_dim3A_612 = vector.broadcast %add3A_611 : f32 to vector<16xf32>
    %swap3A = arith.constant 0 : index
    %swap3A_613 = tpu.vector_load %arg5[%swap3A] {strides = array<i32>} : memref<16xf32, #tpu.memory_space<vmem>>, vector<16xf32>,
    %swap3A_614 = vector.shape_cast %swap3A_613 : vector<16xf32> to vector<16xf32>
    %swap3A_615 = vector.shape_cast %broadcast_in_dim3A_612 : vector<16xf32> to vector<16xf32>
    tpu.vector_store %arg5[%swap3A], %swap3A_615 {strides = array<i32>} : memref<16xf32, #tpu.memory_space<vmem>>, vector<16xf32>,
    %barrier3A = arith.constant 0 : index
    tpu.barrier barrier_id(%barrier3A)
    %iota3A = tpu.iota {dimensions = array<i32: 0>} : vector<16xi32>
    "tpu.region"() ({
      %run_scoped3A = tpu.sem_alloc : memref<!tpu.dma_semaphore, #tpu.memory_space<semaphore_mem>>
      %dma_start3A_622 = arith.constant 0 : i32
      %dma_start3A_623 = tpu.memref_slice %arg7[%dma_start3A_622] : memref<16xf32, #tpu.memory_space<vmem_shared>> -> memref<16xf32, #tpu.memory_space<vmem_shared>>
      tpu.enqueue_indirect_dma source(%arg5 : memref<16xf32, #tpu.memory_space<vmem>>) target(%dma_start3A_623 : memref<16xf32, #tpu.memory_space<vmem_shared>>) offsets(%iota3A : vector<16xi32>) semaphore(%run_scoped3A : memref<!tpu.dma_semaphore, #tpu.memory_space<semaphore_mem>>) {add = true}
      %dma_wait3A_624 = arith.constant 0 : i32
      %dma_wait3A_625 = tpu.memref_slice %arg7[%dma_wait3A_624] : memref<16xf32, #tpu.memory_space<vmem_shared>> -> memref<16xf32, #tpu.memory_space<vmem_shared>>
      tpu.wait_indirect_dma semaphore(%run_scoped3A : memref<!tpu.dma_semaphore, #tpu.memory_space<semaphore_mem>>) src(%arg5 : memref<16xf32, #tpu.memory_space<vmem>>) dst(%dma_wait3A_625 : memref<16xf32, #tpu.memory_space<vmem_shared>>)
      tpu.yield
    }) : () -> ()
    %barrier3A_616 = arith.constant 0 : index
    tpu.barrier barrier_id(%barrier3A_616)
    %eq3A_617 = arith.constant 0 : i32
    %eq3A_618 = arith.cmpi eq, %arg1, %eq3A_617 : i32
    %convert_element_type3A_619 = arith.extui %eq3A_618 : i1 to i32
    %cond3A_620 = arith.constant 0 : i32
    %cond3A_621 = arith.cmpi ne, %convert_element_type3A_619, %cond3A_620 : i32
    scf.if %cond3A_621 {
      "tpu.region"() ({
        %run_scoped3A = tpu.sem_alloc : memref<!tpu.dma_semaphore, #tpu.memory_space<semaphore_mem>>
        tpu.enqueue_dma source(%arg7 : memref<16xf32, #tpu.memory_space<vmem_shared>>) target(%arg6 : memref<16xf32, #tpu.memory_space<vmem>>) target_semaphore(%run_scoped3A : memref<!tpu.dma_semaphore, #tpu.memory_space<semaphore_mem>>)
        tpu.wait_dma2 semaphore(%run_scoped3A : memref<!tpu.dma_semaphore, #tpu.memory_space<semaphore_mem>>) src(%arg7 : memref<16xf32, #tpu.memory_space<vmem_shared>>) dst(%arg6 : memref<16xf32, #tpu.memory_space<vmem>>)
        tpu.yield
      }) : () -> ()
      "tpu.region"() ({
        %run_scoped3A = tpu.sem_alloc : memref<!tpu.dma_semaphore, #tpu.memory_space<semaphore_mem>>
        tpu.enqueue_dma source(%arg6 : memref<16xf32, #tpu.memory_space<vmem>>) target(%arg3 : memref<16xf32, #tpu.memory_space<hbm>>) target_semaphore(%run_scoped3A : memref<!tpu.dma_semaphore, #tpu.memory_space<semaphore_mem>>)
        tpu.wait_dma2 semaphore(%run_scoped3A : memref<!tpu.dma_semaphore, #tpu.memory_space<semaphore_mem>>) src(%arg6 : memref<16xf32, #tpu.memory_space<vmem>>) dst(%arg3 : memref<16xf32, #tpu.memory_space<hbm>>)
        tpu.yield
      }) : () -> ()
    } else {
    }
    return
  }
}

</mosaic_0001>

<sc_bundles>
// kernel: _regularizer.3.cloned.1.call-start
scs
__scs_entry_jumppad:
0x0: {  	(pc) =	sbr.rel $0x88, $3  }
0x1: {  	(tag) =	ssettag $0x0;
	lr =	simm.s32 $0x1  }
0x2: {  	[smem:$0x3FA0] =	sst lr;
	_ =	strace $0xD0000000  }
0x3: {  	_ = 	snop  }
0x4: {  	_ = 	snop  }
0x5: {  	_ = 	snop  }
0x6: {  	_ = 	snop  }
0x7: {  	_ = 	snop  }
__scs_overlays_trampoline_lowered:
0x8: {  	[smem:$0x3FAF] =	sst s0  }
0x9: {  	[smem:$0x3FB0] =	sst s1  }
0xa: {  	[smem:$0x3FB1] =	sst s2  }
0xb: {  	[smem:$0x3FB2] =	sst s3  }
0xc: {  	[smem:$0x3FB3] =	sst s4  }
0xd: {  	[smem:$0x3FB4] =	sst s5  }
0xe: {  	[smem:$0x3FB5] =	sst s6  }
0xf: {  	[smem:$0x3FB6] =	sst s7  }
0x10: {  	[smem:$0x3FB7] =	sst s8  }
0x11: {  	[smem:$0x3FB8] =	sst s9;
	s0 =	simm.s32 @!p0 $0x0  }
0x12: {  	s1 =	sld [smem:$0x3F9E];
	s0 =	simm.s32 @p0 $0x1  }
0x13: {  	[smem:$0x3FB9] =	sst s0;
	s0 =	simm.s32 @!p1 $0x0  }
0x14: {  	s2 =	sld [smem:$0x3F9D];
	s0 =	simm.s32 @p1 $0x1  }
0x15: {  	[smem:$0x3FBA] =	sst s0;
	s0 =	simm.s32 @!p2 $0x0  }
0x16: {  	s3 =	sld [smem:$0x3FDB];
	s0 =	simm.s32 @p2 $0x1  }
0x17: {  	s4 =	simm.s32 $0x1BF5;
	[smem:$0x3FBC] =	sst s0  }
0x18: {  	s0 =	sld [smem:$0x3F9F];
	_ =	swait.ge [sflag:s4], $0x0  }
0x19: {  	s7 =	sld [smem:$0x3FA0]  }
0x1a: {  	s8 =	sadd.s32 $0xFFFFE003, lr  }
0x1b: {  	s9 =	sadd.s32 $0xFFFFFEF7, lr;
	s5 =	simm.s32 $0xFFFFFFFF;
	p2 =	slt.u32 s8, $0xFFFFF086  }
0x1c: {  	p1 =	slt.u32 s9, $0xF7A;
	s5 =	simm.s32 @!p2 $0x0  }
0x1d: {  	s5 =	simm.s32 @p1 $0x1;
	p0 =	seq.s32 s7, s2  }
0x1e: {  	s7 =	smul.u32 @!p0 $0xF7A, s2;
	p2 =	seq.s32 @!p0 s5, $0x0  }
0x1f: {  	s9 =	smul.u32 $0xF7A, s1;
	s8 =	simm.s32 @!p0 $0x1BF5;
	p2 =	por !p2, p0  }
0x20: {  	[sflag:s8] =	ssyncset.s32 @!p0 $0xFFFFF086;
	s6 =	sadd.s32 @!p0 s3, s7;
	s7 =	simm.s32 @!p0 $0x108  }
0x21: {  	s3 =	sadd.s32 s3, s9;
	s6 =	sadd.s32 @!p0 $0x88, s6;
	s7 =	simm.s32 @p2 $0x1082  }
0x22: {  	[simem:s7], [sflag:s8] =	dma.local @!p0 [hbm:s6], $0xF7A  }
0x23: {  	s9 =	sor.u32 $0xD0000000, s2;
	s6 =	simm.s32 $0x108;
	_ =	swait.ge @!p0 [sflag:s8], $0x0  }
0x24: {  	s3 =	sadd.s32 $0x88, s3;
	s6 =	simm.s32 @!p1 $0x1082;
	[sflag:s4] =	ssyncset.s32 $0xFFFFF086  }
0x25: {  	[simem:s6], [sflag:s4] =	dma.local [hbm:s3], $0xF7A  }
0x26: {  	[smem:$0x3FA0] =	sst s1;
	(tag) =	ssettag s2;
	_ =	strace s9  }
0x27: {  	s1 =	sld [smem:$0x3FB0]  }
0x28: {  	s2 =	sld [smem:$0x3FB1]  }
0x29: {  	s4 =	sld [smem:$0x3FB3]  }
0x2a: {  	p0 =	seq.s32 s5, $0x0;
	s5 =	sld [smem:$0x3FB4]  }
0x2b: {  	s6 =	sld [smem:$0x3FB5]  }
0x2c: {  	s7 =	sld [smem:$0x3FB6]  }
0x2d: {  	s3 =	simm.s32 $0x108;
	s8 =	sld [smem:$0x3FB7]  }
0x2e: {  	s3 =	simm.s32 @!p0 $0x1082;
	s9 =	sld [smem:$0x3FB8]  }
0x2f: {  	lr =	sadd.s32 s0, s3;
	s0 =	sld [smem:$0x3FAF]  }
0x30: {  	s3 =	sld [smem:$0x3FB2]  }
0x31: {  	[smem:$0x3FBB] =	sst s10  }
0x32: {  	s10 =	sld [smem:$0x3FB9];
	_ =	sdelay $0x3  }
0x33: {  	p0 =	seq.s32 s10, $0x1;
	s10 =	sld [smem:$0x3FBB];
	_ =	sdelay $0x3  }
0x34: {  	[smem:$0x3FBB] =	sst s10  }
0x35: {  	s10 =	sld [smem:$0x3FBA];
	_ =	sdelay $0x3  }
0x36: {  	p1 =	seq.s32 s10, $0x1;
	s10 =	sld [smem:$0x3FBB];
	_ =	sdelay $0x3  }
0x37: {  	[smem:$0x3FBB] =	sst s10  }
0x38: {  	s10 =	sld [smem:$0x3FBC]  }
0x39: {  	_ = 	snop;
	(pc) =	sbr.ind lr, $3  }
0x3a: {  	_ = 	snop  }
0x3b: {  	_ = 	snop  }
0x3c: {  	p2 =	seq.s32 s10, $0x1;
	s10 =	sld [smem:$0x3FBB]  }
0x3d: {  	_ =	shalt  }
0x3e: {  	_ =	shalt  }
0x3f: {  	_ =	shalt  }
0x40: {  	_ =	shalt  }
0x41: {  	_ =	shalt  }
0x42: {  	_ =	shalt  }
0x43: {  	_ =	shalt  }
0x44: {  	_ =	shalt  }
0x45: {  	_ =	shalt  }
0x46: {  	_ =	shalt  }
0x47: {  	_ =	shalt  }
0x48: {  	_ =	shalt  }
0x49: {  	_ =	shalt  }
0x4a: {  	_ =	shalt  }
0x4b: {  	_ =	shalt  }
0x4c: {  	_ =	shalt  }
0x4d: {  	_ =	shalt  }
0x4e: {  	_ =	shalt  }
0x4f: {  	_ =	shalt  }
0x50: {  	_ =	shalt  }
0x51: {  	_ =	shalt  }
0x52: {  	_ =	shalt  }
0x53: {  	_ =	shalt  }
0x54: {  	_ =	shalt  }
0x55: {  	_ =	shalt  }
0x56: {  	_ =	shalt  }
0x57: {  	_ =	shalt  }
0x58: {  	_ =	shalt  }
0x59: {  	_ =	shalt  }
0x5a: {  	_ =	shalt  }
0x5b: {  	_ =	shalt  }
0x5c: {  	_ =	shalt  }
0x5d: {  	_ =	shalt  }
0x5e: {  	_ =	shalt  }
0x5f: {  	_ =	shalt  }
0x60: {  	_ =	shalt  }
0x61: {  	_ =	shalt  }
0x62: {  	_ =	shalt  }
0x63: {  	_ =	shalt  }
0x64: {  	_ =	shalt  }
0x65: {  	_ =	shalt  }
0x66: {  	_ =	shalt  }
0x67: {  	_ =	shalt  }
0x68: {  	_ =	shalt  }
0x69: {  	_ =	shalt  }
0x6a: {  	_ =	shalt  }
0x6b: {  	_ =	shalt  }
0x6c: {  	_ =	shalt  }
0x6d: {  	_ =	shalt  }
0x6e: {  	_ =	shalt  }
0x6f: {  	_ =	shalt  }
0x70: {  	_ =	shalt  }
0x71: {  	_ =	shalt  }
0x72: {  	_ =	shalt  }
0x73: {  	_ =	shalt  }
0x74: {  	_ =	shalt  }
0x75: {  	_ =	shalt  }
0x76: {  	_ =	shalt  }
0x77: {  	_ =	shalt  }
0x78: {  	_ =	shalt  }
0x79: {  	_ =	shalt  }
0x7a: {  	_ =	shalt  }
0x7b: {  	_ =	shalt  }
0x7c: {  	_ =	shalt  }
0x7d: {  	_ =	shalt  }
0x7e: {  	_ =	shalt  }
0x7f: {  	_ =	shalt  }
0x80: {  	_ =	shalt  }
0x81: {  	_ =	shalt  }
0x82: {  	_ =	shalt  }
0x83: {  	_ =	shalt  }
0x84: {  	_ =	shalt  }
0x85: {  	_ =	shalt  }
0x86: {  	_ =	shalt  }
0x87: {  	_ =	shalt  }
.Lfunc_end0:
.L_simem_size_0:
called_computation_lowered:
.L_overlay_start_0:
0x88: {  	s0 =	sld [smem:$0x3FD9]  }
0x89: {  	s1 =	sld [smem:$0x3FFE];
	_ =	sdelay $0x3  }
0x8a: {  	s0 =	sadd.s32 s1, s0  }
0x8b: {  	[smem:$0x3FC7] =	sst s0  }
0x8c: {  	_ = 	snop  }
0x8d: {  	s0 =	sld [smem:$0x3FC9]  }
0x8e: {  	s17 =	sld [smem:$0x3FD0];
	(tm) =	ssettm $0x1  }
0x8f: {  	s2 =	sld [smem:$0x3FFB];
	_ =	sdelay $0x3  }
0x90: {  	_ =	strace s2  }
0x91: {  	s2 =	sld [smem:$0x3FFC];
	_ =	sdelay $0x3  }
0x92: {  	_ =	strace s2  }
0x93: {  	s2 =	sld [smem:$0x3FFD];
	_ =	sdelay $0x3  }
0x94: {  	_ =	strace s2  }
0x95: {  	_ =	strace $0x8FFFFFFF  }
0x96: {  	s18 =	sld [smem:$0x3FDB];
	_ =	sdelay $0x1  }
0x97: {  	s3 =	simm.s32 $_scs_section_size  }
0x98: {  	s4 =	simm.s32 $_size__tile_overlayer_lowered;
	s5 =	simm.s32 $_tile_overlayer_lowered  }
0x99: {  	s21 =	simm.s32 $0x1BFF;
	s20 =	sshll.u32 s5, $0x1;
	s2 =	sadd.s32 s3, s18  }
0x9a: {  	s6 =	simm.s32 $0x0;
	s19 =	sshll.u32 s4, $0x1;
	s4 =	sadd.s32 s20, s2  }
0x9b: {  	[timem:s6], [sflag:s21] =	dma.local [hbm:s4], s19  }
0x9c: {  	_ =	swait.ge [sflag:s21], s19  }
0x9d: {  	s3 =	ssub.s32 $0x0, s19;
	[sflag:s21] =	ssyncset.done $0x0  }
0x9e: {  	[sflag:s21] =	ssyncadd.s32 s3;
	_ =	sdelay $0x1  }
0x9f: {  	s22 =	simm.s32 $0x1B8B  }
0xa0: {  	_ =	swait.ge [sflag:s22], $0x1  }
0xa1: {  	[sflag:s22] =	ssyncset.done $0x0  }
0xa2: {  	s23 =	simm.s32 $0x1B8E;
	[sflag:s22] =	ssyncadd.s32 $0xFFFFFFFF  }
0xa3: {  	s24 =	simm.s32 $execute0_lowered;
	[smem:$0x3FD2] =	sst s23  }
0xa4: {  	s3 =	sshll.u32 s24, $0x1;
	_ =	strace $0x80000046;
	[dreg:$0x1] =	wrdreg $0xFFFFFFFF  }
0xa5: {  	s25 =	simm.s32 $_size_execute0_lowered;
	s2 =	sadd.s32 s2, s3;
	[dreg:$0x0] =	wrdreg $0x0  }
0xa6: {  	s3 =	sshll.u32 s25, $0x1;
	[dreg:$0x2] =	wrdreg s2  }
0xa7: {  	[dreg:$0x3] =	wrdreg s3  }
0xa8: {  	[dreg:$0x4] =	wrdreg $0xC0  }
0xa9: {  	_ =	task [dreg:s6], $0x5FFFF  }
0xaa: {  	[dreg:$0x1] =	wrdreg $0xFFFFFFFF  }
0xab: {  	[dreg:$0x0] =	wrdreg $0x60  }
0xac: {  	[dreg:$0x2] =	wrdreg s0  }
0xad: {  	[dreg:$0x3] =	wrdreg s17  }
0xae: {  	[dreg:$0x4] =	wrdreg $0x5000  }
0xaf: {  	[dreg:$0x5] =	wrdreg $0x9  }
0xb0: {  	_ =	task.clear_ibuf [dreg:s6], $0x6FFFF;
	_ =	strace $0x90000046  }
0xb1: {  	s26 =	simm.s32 $0x9;
	_ =	strace $0x80000048  }
0xb2: {  	_ =	swait.ge [sflag:s26], $0x1  }
0xb3: {  	[sflag:s26] =	ssyncadd.s32 $0xFFFFFFFF  }
0xb4: {  	_ =	strace $0x90000048  }
0xb5: {  	_ =	sfence  }
0xb6: {  	s28 =	sld [smem:$0x0];
	_ =	sdelay $0x1  }
0xb7: {  	s29 =	srdreg.scid  }
0xb8: {  	s30 =	sshll.u32 s29, $0xD;
	s31 =	sshrl.u32 s29, $0x2  }
0xb9: {  	s1 =	sand.u32 $0x1, s29;
	s2 =	sand.u32 $0x4000, s30;
	s0 =	sadd.s32 s31, s28  }
0xba: {  	s1 =	sor.u32 s2, s1;
	s0 =	sshll.u32 s0, $0x11  }
0xbb: {  	s0 =	sor.u32 s0, s1  }
0xbc: {  	s0 =	sadd.s32 $0x8F2B, s0  }
0xbd: {  	[sflag:s0] =	ssyncadd.remote.s32 $0x1  }
0xbe: {  	_ =	sfence.sel $0xFFFF  }
0xbf: {  	[dreg:$0x0] =	wrdreg $0xFFFFFFFF;
	(pc) =	sbr.abs _section_cstart, $3  }
0xc0: {  	[dreg:$0x1] =	wrdreg $0xFFFFFFFF  }
0xc1: {  	_ =	task.clear_ibuf [dreg:s6], $0x2FFFF;
	_ =	strace $0x9FFFFFFF  }
0xc2: {  	(tm) =	ssettm $0x7FFFFFFF  }
0xc3: {  	_ =	shalt  }
tec
execute0_lowered:
.L_overlay_start_1:
0x0: {  	(tag) =	ssettag $0x1  }
0x1: {  	s4 =	rddreg [dreg:$0x0]  }
0x2: {  	s1 =	rddreg [dreg:$0x1]  }
0x3: {  	s2 =	rddreg [dreg:$0x2]  }
0x4: {  	s0 =	rddreg [dreg:$0x3];
	s5 =	simm.s32 $0x0;
	s3 =	stileid.u32  }
0x5: {  	[smem:$0x7FF] =	sst s5;
	s6 =	sshll.u32 s3, $0x7  }
0x6: {  	p0 =	sne.s32 s3, $0xF;
	_ =	strace $0x80000047;
	s4 =	sadd.s32 s4, s6  }
0x7: {  	v0 =	vimm.f32 @!p0 $0.0e+00;
	[tilespmem:s5], [sflag:$0x1] =	stream.linear.gather [hbm4b:s4+s5], $0x400, $0x38;
	[tilespmem:$0x508] =	vst v63  }
0x8: {  	s4 =	simm.s32 @!p0 $0x400;
	[tilespmem:$0x400] =	vst @!p0 v0  }
0x9: {  	[spmem:s2] =	stream.linear.scatter @!p0 [tilespmem:s4], [sflag:$0x2], $0x80, $0x38;
	[tilespmem:$0x508] =	vst v63  }
0xa: {  	s4 =	simm.s32 @!p0 $0x2  }
0xb: {  	_ =	swait.ge @!p0 [sflag:s4], $0x80  }
0xc: {  	[sflag:s4] =	ssyncset.done @!p0 $0x0  }
0xd: {  	s12 =	simm.s32 $0x1;
	[sflag:s4] =	ssyncadd.s32 @!p0 $0xFFFFFF80  }
0xe: {  	_ =	swait.ge [sflag:s12], $0x400  }
0xf: {  	[sflag:s12] =	ssyncset.done $0x0  }
0x10: {  	[sflag:s12] =	ssyncadd.s32 $0xFFFFFC00  }
0x11: {  	v18 =	vld [tilespmem:$0x0]  }
0x12: {  	v1 =	vld [tilespmem:$0x80]  }
0x13: {  	v2 =	vld [tilespmem:$0x100]  }
0x14: {  	v3 =	vld [tilespmem:$0x10]  }
0x15: {  	v4 =	vld [tilespmem:$0x90]  }
0x16: {  	v5 =	vld [tilespmem:$0x180]  }
0x17: {  	v8 =	vld [tilespmem:$0x110]  }
0x18: {  	v9 =	vld [tilespmem:$0x200]  }
0x19: {  	v10 =	vld [tilespmem:$0x190]  }
0x1a: {  	v20 =	vld [tilespmem:$0x280]  }
0x1b: {  	v34 =	vld [tilespmem:$0x20]  }
0x1c: {  	v37 =	vld [tilespmem:$0xA0]  }
0x1d: {  	v14 =	vld [tilespmem:$0x30];
	v6 =	vmul.f32 v18, v18;
	v7 =	vmul.f32 v1, v1  }
0x1e: {  	v41 =	vld [tilespmem:$0xB0];
	v19 =	vmul.f32 v2, v2;
	v11 =	vmul.f32 v3, v3  }
0x1f: {  	v13 =	vld [tilespmem:$0x210];
	v0 =	vadd.f32 $0.0e+00, v18;
	v12 =	vmul.f32 v4, v4;
	v21 =	vmul.f32 v5, v5  }
0x20: {  	v39 =	vld [tilespmem:$0x120];
	v3 =	vadd.f32 $0.0e+00, v3;
	v23 =	vmul.f32 v8, v8;
	v24 =	vmul.f32 v9, v9  }
0x21: {  	v46 =	vld [tilespmem:$0x130];
	v44 =	vmul.f32 v34, v34;
	v45 =	vmul.f32 v37, v37;
	v47 =	vadd.f32 $0.0e+00, v34  }
0x22: {  	v22 =	vld [tilespmem:$0x300];
	v15 =	vmul.f32 v14, v14;
	v14 =	vadd.f32 $0.0e+00, v14;
	v6 =	vadd.f32 v7, v6  }
0x23: {  	v25 =	vld [tilespmem:$0x290];
	v16 =	vmul.f32 v41, v41;
	v0 =	vadd.f32 v1, v0;
	v11 =	vadd.f32 v12, v11  }
0x24: {  	v43 =	vld [tilespmem:$0x1A0];
	v27 =	vmul.f32 v10, v10;
	v3 =	vadd.f32 v4, v3;
	v7 =	vadd.f32 v45, v44  }
0x25: {  	v50 =	vld [tilespmem:$0x1B0];
	v49 =	vmul.f32 v39, v39;
	v15 =	vadd.f32 v16, v15;
	v4 =	vadd.f32 v41, v14  }
0x26: {  	v26 =	vld [tilespmem:$0x380];
	v54 =	vmul.f32 v46, v46;
	v6 =	vadd.f32 v19, v6;
	v0 =	vadd.f32 v2, v0  }
0x27: {  	v29 =	vld [tilespmem:$0x310];
	v28 =	vmul.f32 v20, v20;
	v11 =	vadd.f32 v23, v11;
	v3 =	vadd.f32 v8, v3  }
0x28: {  	v48 =	vld [tilespmem:$0x220];
	v31 =	vmul.f32 v13, v13;
	v7 =	vadd.f32 v49, v7;
	v15 =	vadd.f32 v54, v15  }
0x29: {  	v17 =	vld [tilespmem:$0x230];
	v52 =	vmul.f32 v43, v43;
	v4 =	vadd.f32 v46, v4;
	v6 =	vadd.f32 v21, v6  }
0x2a: {  	v32 =	vld [tilespmem:$0x390];
	v58 =	vmul.f32 v50, v50;
	v0 =	vadd.f32 v5, v0;
	v30 =	vadd.f32 v27, v11  }
0x2b: {  	v51 =	vld [tilespmem:$0x2A0];
	v33 =	vmul.f32 v22, v22;
	v3 =	vadd.f32 v10, v3;
	v5 =	vadd.f32 v37, v47  }
0x2c: {  	v56 =	vld [tilespmem:$0x2B0];
	v36 =	vmul.f32 v25, v25;
	v7 =	vadd.f32 v52, v7;
	v61 =	vadd.f32 v58, v15  }
0x2d: {  	v57 =	vld [tilespmem:$0x3A0];
	v55 =	vmul.f32 v48, v48;
	v4 =	vadd.f32 v50, v4;
	v6 =	vadd.f32 v24, v6  }
0x2e: {  	v62 =	vmul.f32 v17, v17;
	v18 =	vld [tilespmem:$0x140];
	v0 =	vadd.f32 v9, v0;
	v35 =	vadd.f32 v31, v30  }
0x2f: {  	v38 =	vmul.f32 v26, v26;
	v41 =	vld [tilespmem:$0x340];
	v3 =	vadd.f32 v13, v3;
	v5 =	vadd.f32 v39, v5  }
0x30: {  	v40 =	vmul.f32 v29, v29;
	v21 =	vld [tilespmem:$0x40];
	v7 =	vadd.f32 v55, v7;
	v10 =	vadd.f32 v62, v61  }
0x31: {  	v53 =	vld [tilespmem:$0x320];
	v42 =	vmul.f32 v32, v32;
	v17 =	vadd.f32 v17, v4;
	v6 =	vadd.f32 v28, v6  }
0x32: {  	v63 =	vld [tilespmem:$0x3B0];
	v59 =	vmul.f32 v51, v51;
	v0 =	vadd.f32 v20, v0;
	v1 =	vadd.f32 v36, v35  }
0x33: {  	v37 =	vmul.f32 v18, v18;
	v3 =	vadd.f32 v25, v3;
	v5 =	vadd.f32 v43, v5  }
0x34: {  	v60 =	vld [tilespmem:$0x330];
	v52 =	vmul.f32 v41, v41;
	v7 =	vadd.f32 v59, v7;
	v27 =	vadd.f32 v56, v17  }
0x35: {  	v23 =	vld [tilespmem:$0xC0];
	v24 =	vmul.f32 v57, v57;
	v35 =	vadd.f32 $0.0e+00, v21;
	v6 =	vadd.f32 v33, v6  }
0x36: {  	v31 =	vld [tilespmem:$0x1C0];
	v20 =	vmul.f32 v53, v53;
	v2 =	vadd.f32 v22, v0;
	v1 =	vadd.f32 v40, v1  }
0x37: {  	v30 =	vmul.f32 v63, v63;
	v3 =	vadd.f32 v29, v3;
	v5 =	vadd.f32 v48, v5  }
0x38: {  	v34 =	vld [tilespmem:$0x150];
	v22 =	vmul.f32 v56, v56;
	v7 =	vadd.f32 v20, v7;
	v0 =	vadd.f32 v38, v6  }
0x39: {  	v25 =	vmul.f32 v60, v60;
	v28 =	vld [tilespmem:$0xD0];
	v2 =	vadd.f32 v26, v2;
	v1 =	vadd.f32 v42, v1  }
0x3a: {  	v33 =	vmul.f32 v23, v23;
	v5 =	vadd.f32 v51, v5;
	v10 =	vadd.f32 v22, v10  }
0x3b: {  	v55 =	vld [tilespmem:$0xE0];
	v40 =	vmul.f32 v31, v31;
	v4 =	vadd.f32 v24, v7;
	v7 =	vadd.f32 v60, v27  }
0x3c: {  	v59 =	vld [tilespmem:$0x70];
	v3 =	vadd.f32 v32, v3;
	v32 =	vmul.f32 v21, v21;
	v5 =	vadd.f32 v53, v5  }
0x3d: {  	v26 =	vld [tilespmem:$0x50];
	v42 =	vmul.f32 v34, v34;
	v29 =	vadd.f32 v25, v10;
	v7 =	vadd.f32 v63, v7  }
0x3e: {  	v60 =	vld [tilespmem:$0xF0];
	v20 =	vmul.f32 v28, v28;
	v9 =	vadd.f32 v33, v32;
	v10 =	vadd.f32 v23, v35  }
0x3f: {  	v36 =	vld [tilespmem:$0x240];
	v2 =	vmul.f32 v2, v2;
	v0 =	vadd.f32 v1, v0;
	v5 =	vadd.f32 v57, v5  }
0x40: {  	v53 =	vld [tilespmem:$0x60];
	v3 =	vmul.f32 v3, v3;
	v6 =	vadd.f32 v30, v29;
	v9 =	vadd.f32 v37, v9  }
0x41: {  	v44 =	vld [tilespmem:$0x2D0];
	v23 =	vmul.f32 v59, v59;
	v10 =	vadd.f32 v18, v10;
	v18 =	vadd.f32 $0.0e+00, v59  }
0x42: {  	v22 =	vld [tilespmem:$0x170];
	v2 =	vadd.f32 v3, v2;
	v19 =	vmul.f32 v26, v26;
	v13 =	vadd.f32 $0.0e+00, v26  }
0x43: {  	v38 =	vld [tilespmem:$0x1D0];
	v24 =	vmul.f32 v60, v60;
	v9 =	vadd.f32 v40, v9;
	v10 =	vadd.f32 v31, v10  }
0x44: {  	v39 =	vld [tilespmem:$0x2C0];
	v43 =	vmul.f32 v36, v36;
	v19 =	vadd.f32 v20, v19;
	v8 =	vadd.f32 v28, v13  }
0x45: {  	v21 =	vld [tilespmem:$0x250];
	v29 =	vmul.f32 v55, v55;
	v30 =	vadd.f32 $0.0e+00, v53;
	v23 =	vadd.f32 v24, v23  }
0x46: {  	v57 =	vld [tilespmem:$0x160];
	v28 =	vmul.f32 v53, v53;
	v13 =	vadd.f32 v60, v18;
	v53 =	vadd.f32 v6, v4  }
0x47: {  	v45 =	vld [tilespmem:$0x3C0];
	v37 =	vmul.f32 v22, v22;
	v9 =	vadd.f32 v43, v9;
	v10 =	vadd.f32 v36, v10  }
0x48: {  	v33 =	vld [tilespmem:$0x1F0];
	v46 =	vmul.f32 v38, v38;
	v19 =	vadd.f32 v42, v19;
	v8 =	vadd.f32 v34, v8  }
0x49: {  	v48 =	vld [tilespmem:$0x350];
	v47 =	vmul.f32 v39, v39;
	v15 =	vadd.f32 v29, v28;
	v23 =	vadd.f32 v37, v23  }
0x4a: {  	v63 =	vld [tilespmem:$0x1E0];
	v50 =	vmul.f32 v21, v21;
	v13 =	vadd.f32 v22, v13;
	v49 =	vadd.f32 v46, v19  }
0x4b: {  	v51 =	vld [tilespmem:$0x3D0];
	v32 =	vmul.f32 v57, v57;
	v9 =	vadd.f32 v47, v9;
	v10 =	vadd.f32 v39, v10  }
0x4c: {  	v54 =	vmul.f32 v44, v44;
	v25 =	vld [tilespmem:$0x270];
	v8 =	vadd.f32 v38, v8;
	v12 =	vadd.f32 v50, v49  }
0x4d: {  	v56 =	vmul.f32 v45, v45;
	v31 =	vld [tilespmem:$0x260];
	v15 =	vadd.f32 v32, v15;
	v13 =	vadd.f32 v33, v13  }
0x4e: {  	v58 =	vmul.f32 v48, v48;
	v9 =	vadd.f32 v52, v9;
	v12 =	vadd.f32 v54, v12  }
0x4f: {  	v35 =	vmul.f32 v63, v63;
	v34 =	vld [tilespmem:$0x2E0];
	v10 =	vadd.f32 v41, v10;
	v8 =	vadd.f32 v21, v8  }
0x50: {  	v7 =	vmul.f32 v7, v7;
	v39 =	vld [tilespmem:$0x2F0];
	v61 =	vadd.f32 v58, v12;
	v12 =	vadd.f32 v55, v30  }
0x51: {  	v62 =	vmul.f32 v51, v51;
	v15 =	vadd.f32 v35, v15;
	v13 =	vadd.f32 v25, v13  }
0x52: {  	v36 =	vld [tilespmem:$0x360];
	v38 =	vmul.f32 v31, v31;
	v9 =	vadd.f32 v56, v9;
	v12 =	vadd.f32 v57, v12  }
0x53: {  	v43 =	vld [tilespmem:$0x370];
	v41 =	vmul.f32 v33, v33;
	v10 =	vadd.f32 v45, v10;
	v8 =	vadd.f32 v44, v8  }
0x54: {  	v42 =	vmul.f32 v34, v34;
	v15 =	vadd.f32 v38, v15;
	v12 =	vadd.f32 v63, v12  }
0x55: {  	v40 =	vld [tilespmem:$0x3E0];
	v45 =	vmul.f32 v25, v25;
	v44 =	vadd.f32 v41, v23;
	v13 =	vadd.f32 v39, v13  }
0x56: {  	v5 =	vmul.f32 v5, v5;
	v8 =	vadd.f32 v48, v8;
	v12 =	vadd.f32 v31, v12  }
0x57: {  	v47 =	vmul.f32 v39, v39;
	v15 =	vadd.f32 v42, v15;
	v16 =	vadd.f32 v45, v44;
	v48 =	vld [tilespmem:$0x3F0]  }
0x58: {  	v46 =	vmul.f32 v36, v36;
	v13 =	vadd.f32 v43, v13;
	v12 =	vadd.f32 v34, v12  }
0x59: {  	v50 =	vmul.f32 v43, v43;
	v11 =	vadd.f32 v62, v61;
	v16 =	vadd.f32 v47, v16  }
0x5a: {  	v49 =	vmul.f32 v40, v40;
	v8 =	vadd.f32 v51, v8;
	v12 =	vadd.f32 v36, v12  }
0x5b: {  	v10 =	vmul.f32 v10, v10;
	v15 =	vadd.f32 v46, v15;
	v16 =	vadd.f32 v50, v16  }
0x5c: {  	v51 =	vmul.f32 v48, v48;
	v13 =	vadd.f32 v48, v13;
	v12 =	vadd.f32 v40, v12  }
0x5d: {  	v57 =	vadd.f32 v7, v5;
	v15 =	vadd.f32 v49, v15;
	v8 =	vmul.f32 v8, v8  }
0x5e: {  	v52 =	vadd.f32 v51, v16;
	v54 =	vmul.f32 v13, v13;
	v12 =	vmul.f32 v12, v12  }
0x5f: {  	v55 =	vadd.f32 v11, v9;
	v58 =	vadd.f32 v8, v10  }
0x60: {  	v56 =	vadd.f32 v52, v15;
	v4 =	vadd.f32 v54, v12  }
0x61: {  	v0 =	vadd.f32 v53, v0;
	v2 =	vadd.f32 v57, v2  }
0x62: {  	v59 =	vadd.f32 v56, v55;
	v60 =	vadd.f32 v4, v58;
	_ =	sdelay $0x1  }
0x63: {  	v0 =	vadd.f32 v59, v0;
	v61 =	vadd.f32 v60, v2;
	_ =	sdelay $0x1  }
0x64: {  	v0 =	vmul.f32 $4.571428520e-02, v0;
	v1 =	vmul.f32 $-5.714285650e-03, v61;
	_ =	sdelay $0x1  }
0x65: {  	v0 =	vadd.f32 v1, v0;
	_ =	sdelay $0x1  }
0x66: {  	(v2sf) =	vpush v0, $0x0  }
0x67: {  	(v2sf) =	vpush v0, $0x1;
	_ =	sdelay $0x1  }
0x68: {  	(v2sf) =	vpush v0, $0x2;
	_ =	sdelay $0x1  }
0x69: {  	(v2sf) =	vpush v0, $0x3;
	_ =	sdelay $0x1  }
0x6a: {  	(v2sf) =	vpush v0, $0x4;
	_ =	sdelay $0x1  }
0x6b: {  	(v2sf) =	vpush v0, $0x5;
	_ =	sdelay $0x1  }
0x6c: {  	(v2sf) =	vpush v0, $0x6;
	_ =	sdelay $0x1  }
0x6d: {  	(v2sf) =	vpush v0, $0x7;
	_ =	sdelay $0x1  }
0x6e: {  	s13 =	spop (v2sf);
	(v2sf) =	vpush v0, $0x8  }
0x6f: {  	s14 =	spop (v2sf)  }
0x70: {  	(v2sf) =	vpush v0, $0x9;
	s4 =	sadd.f32 s14, s13  }
0x71: {  	s15 =	spop (v2sf)  }
0x72: {  	(v2sf) =	vpush v0, $0xA;
	s4 =	sadd.f32 s4, s15  }
0x73: {  	s16 =	spop (v2sf)  }
0x74: {  	(v2sf) =	vpush v0, $0xB;
	s4 =	sadd.f32 s4, s16  }
0x75: {  	s17 =	spop (v2sf)  }
0x76: {  	(v2sf) =	vpush v0, $0xC;
	s4 =	sadd.f32 s4, s17  }
0x77: {  	s18 =	spop (v2sf)  }
0x78: {  	(v2sf) =	vpush v0, $0xD;
	s4 =	sadd.f32 s4, s18  }
0x79: {  	s19 =	spop (v2sf)  }
0x7a: {  	(v2sf) =	vpush v0, $0xE;
	s4 =	sadd.f32 s4, s19  }
0x7b: {  	s20 =	spop (v2sf)  }
0x7c: {  	(v2sf) =	vpush v0, $0xF;
	s4 =	sadd.f32 s4, s20  }
0x7d: {  	s21 =	spop (v2sf)  }
0x7e: {  	s4 =	sadd.f32 s4, s21  }
0x7f: {  	s22 =	spop (v2sf)  }
0x80: {  	s4 =	sadd.f32 s4, s22  }
0x81: {  	s23 =	spop (v2sf)  }
0x82: {  	s4 =	sadd.f32 s4, s23  }
0x83: {  	s24 =	spop (v2sf)  }
0x84: {  	s4 =	sadd.f32 s4, s24  }
0x85: {  	s25 =	spop (v2sf)  }
0x86: {  	s4 =	sadd.f32 s4, s25  }
0x87: {  	s26 =	spop (v2sf)  }
0x88: {  	s4 =	sadd.f32 s4, s26  }
0x89: {  	s28 =	spop (v2sf)  }
0x8a: {  	s4 =	sadd.f32 s4, s28  }
0x8b: {  	s29 =	spop (v2sf)  }
0x8c: {  	v62 =	vlaneseq.u32;
	s4 =	sadd.f32 s4, s29;
	_ =	sdelay $0x1  }
0x8d: {  	v63 =	vmov s4  }
0x8e: {  	[tilespmem:$0x400] =	vst v63  }
0x8f: {  	vm0 =	vmmov $0xffff;
	s30 =	simm.s32 $0x400;
	s31 =	simm.s32 $0x2;
	[bflag:$0x0] =	sbarrier.arrive $0xFFFF  }
0x90: {  	[spmem:s2] =	stream.indirect_vreg.scatter.add.f32 [tilespmem:s30], [sflag:$0x2], $0x1, v62, vm0, $0xb8;
	[tilespmem:$0x508] =	vst v63  }
0x91: {  	_ =	swait.ge [sflag:s31], $0x10  }
0x92: {  	[sflag:s31] =	ssyncset.done $0x0  }
0x93: {  	[sflag:s31] =	ssyncadd.s32 $0xFFFFFFF0  }
0x94: {  	p0 =	sne.s32 s3, $0x0;
	[bflag:$0x0] =	sbarrier.arrive $0xFFFF  }
0x95: {  	_ =	sfence.sel @p0 $0x180000  }
0x96: {  	[bflag:$0x0] =	sbarrier.arrive @p0 $0xFFFF  }
0x97: {  	_ =	strace @p0 $0x90000047  }
0x98: {  	s3 =	simm.s32 @!p0 $0x480;
	[bflag:$0x2] =	sbarrier.arrive @p0 $0xFFFF  }
0x99: {  	[tilespmem:s3], [sflag:$0x2] =	stream.linear.gather @!p0 [spmem:s2], $0x80, $0x38;
	[tilespmem:$0x508] =	vst v63  }
0x9a: {  	s2 =	simm.s32 @!p0 $0x2  }
0x9b: {  	_ =	swait.ge @!p0 [sflag:s2], $0x80  }
0x9c: {  	[sflag:s2] =	ssyncset.done @!p0 $0x0  }
0x9d: {  	s4 =	simm.s32 @!p0 $0x0;
	[sflag:s2] =	ssyncadd.s32 @!p0 $0xFFFFFF80  }
0x9e: {  	[hbm4b:s1+s4] =	stream.linear.scatter @!p0 [tilespmem:s3], [sflag:$0x2], $0x80, $0x38;
	[tilespmem:$0x508] =	vst v63  }
0x9f: {  	_ =	swait.ge @!p0 [sflag:s2], $0x80  }
0xa0: {  	[sflag:s2] =	ssyncset.done @!p0 $0x0  }
0xa1: {  	[sflag:s2] =	ssyncadd.s32 @!p0 $0xFFFFFF80  }
0xa2: {  	_ =	sfence.sel @!p0 $0x180000  }
0xa3: {  	[bflag:$0x0] =	sbarrier.arrive @!p0 $0xFFFF  }
0xa4: {  	_ =	strace @!p0 $0x90000047  }
0xa5: {  	s0 =	sadd.s32 @!p0 $0x100000, s0;
	[bflag:$0x2] =	sbarrier.arrive @!p0 $0xFFFF  }
0xa6: {  	[sflag:s0] =	ssyncadd.tile.s32 @!p0 $0x1;
	_ =	shalt  }
.Lfunc_end2:
_tile_overlayer_lowered:
.L_overlay_start_2:
0xa7: {  	(tag) =	ssettag $0x2  }
0xa8: {  	s0 =	rddreg [dreg:$0x0];
	s2 =	stileid.u32  }
0xa9: {  	s1 =	rddreg [dreg:$0x1];
	p0 =	sne.s32 s2, $0x0  }
0xaa: {  	s3 =	rddreg [dreg:$0x2];
	[bflag:$0x3] =	sbarrier.arrive $0xFFFF;
	s2 =	simm.s32 @!p0 $0x1C02  }
0xab: {  	[timem:s3], [sflag:s2] =	dma.local @!p0 [hbm:s0], s1  }
0xac: {  	s0 =	simm.s32 @!p0 $0x2  }
0xad: {  	_ =	swait.ge @!p0 [sflag:s0], s1  }
0xae: {  	s1 =	ssub.s32 @!p0 $0x0, s1;
	[sflag:s0] =	ssyncset.done @!p0 $0x0  }
0xaf: {  	[sflag:s0] =	ssyncadd.s32 @!p0 s1  }
0xb0: {  	[bflag:$0x3] =	sbarrier.arrive $0xFFFF  }
0xb1: {  	_ =	shalt  }

</sc_bundles>
